<compile_context>
chip_gen: v7x
topology: tpu7x:2x2x1
jax: 0.10.2.dev20260603
libtpu: 0.0.44.dev20260713+nightly
codegen_flags: <defaults>
</compile_context>

<pallas_src>
import jax
import jax.numpy as jnp
from jax import lax
from jax.experimental import pallas as pl
from jax.experimental.pallas import tpu as pltpu
from jax.experimental.pallas import tpu_sc as plsc

N = 10000
E = 320000
D = 128
C = 40
L = 4
STEP = 0.1

NC = 2
NS = 16
LANES = 16

EPT = E // NS
BIG = 2000
NK = 10
W1 = 5
W3 = 5
NPAD = 10240
NODES_PER_TILE = NPAD // NS
OUT_PER_TILE = NPAD // (NC * NS)


def _sc_body(ei_hbm, out_hbm,
             rows_v, cols_v, ones_v, gath_v, ca, cb, zb, degbuf, dinvbuf,
             sem, sem2):
    cid = lax.axis_index("c")
    sid = lax.axis_index("s")

    d1 = pltpu.async_copy(ei_hbm.at[pl.ds(sid * EPT, EPT)], rows_v, sem)
    d2 = pltpu.async_copy(ei_hbm.at[pl.ds(E + sid * EPT, EPT)], cols_v, sem)

    def fill1(j, carry):
        ones_v[pl.ds(j * LANES, LANES)] = jnp.ones((LANES,), jnp.float32)
        return carry

    lax.fori_loop(0, 2000 // LANES, fill1, 0)

    def fillz(j, carry):
        zb[pl.ds(j * LANES, LANES)] = jnp.zeros((LANES,), jnp.float32)
        return carry

    lax.fori_loop(0, NODES_PER_TILE // LANES, fillz, 0)
    d1.wait()
    d2.wait()

    base = sid * NODES_PER_TILE
    pltpu.sync_copy(zb, degbuf.at[pl.ds(base, NODES_PER_TILE)])
    plsc.subcore_barrier()

    def p1_fire(w):
        return [pltpu.async_copy(
                    ones_v.at[pl.ds(0, BIG)],
                    degbuf.at[rows_v.at[pl.ds((w * W1 + k) * BIG, BIG)]],
                    sem, add=True)
                for k in range(W1)]

    def p1_drain(w):
        for k in range(W1):
            pltpu.make_async_copy(
                ones_v.at[pl.ds(0, BIG)],
                degbuf.at[rows_v.at[pl.ds((w * W1 + k) * BIG, BIG)]],
                sem).wait()

    def p1(w, carry):
        p1_fire(w)

        @pl.when(w > 0)
        def _():
            p1_drain(w - 1)

        return carry

    lax.fori_loop(0, NK // W1, p1, 0)
    p1_drain(NK // W1 - 1)
    plsc.subcore_barrier()

    pltpu.sync_copy(degbuf.at[pl.ds(base, NODES_PER_TILE)], ca)
    pltpu.sync_copy(zb, degbuf.at[pl.ds(base, NODES_PER_TILE)])

    def p2(k, carry):
        x = ca[pl.ds(k * LANES, LANES)]
        i = plsc.bitcast(x, jnp.int32)
        i = jnp.int32(0x5F3759DF) - lax.shift_right_logical(i, 1)
        y = plsc.bitcast(i, jnp.float32)
        for _ in range(3):
            y = y * (1.5 - 0.5 * x * y * y)
        cb[pl.ds(k * LANES, LANES)] = jnp.where(x > 0.5, y, 0.0)
        return carry

    lax.fori_loop(0, NODES_PER_TILE // LANES, p2, 0)
    pltpu.sync_copy(cb, dinvbuf.at[pl.ds(base, NODES_PER_TILE)])
    plsc.subcore_barrier()

    cbase = cid * (NK // NC) // W3

    def p3s_drain(w):
        for k in range(W3):
            j = (w * W3 + k) * BIG
            pltpu.make_async_copy(gath_v.at[pl.ds(j, BIG)],
                                  degbuf.at[cols_v.at[pl.ds(j, BIG)]],
                                  sem2).wait()

    def p3(w, carry):
        gd = [pltpu.async_copy(
                  dinvbuf.at[rows_v.at[pl.ds((w * W3 + k) * BIG, BIG)]],
                  gath_v.at[pl.ds((w * W3 + k) * BIG, BIG)], sem)
              for k in range(W3)]

        @pl.when(w > cbase)
        def _():
            p3s_drain(w - 1)

        for dsc in gd:
            dsc.wait()
        for k in range(W3):
            j = (w * W3 + k) * BIG
            pltpu.async_copy(gath_v.at[pl.ds(j, BIG)],
                             degbuf.at[cols_v.at[pl.ds(j, BIG)]],
                             sem2, add=True)
        return carry

    lax.fori_loop(cbase, cbase + NK // (NC * W3), p3, 0)
    p3s_drain(cbase + NK // (NC * W3) - 1)
    plsc.subcore_barrier()

    pltpu.sync_copy(degbuf.at[pl.ds(base, NODES_PER_TILE)], ca)
    pltpu.sync_copy(ca, out_hbm.at[pl.ds(cid * NPAD + base, NODES_PER_TILE)])
    obase = cid * (NPAD // NC) + sid * OUT_PER_TILE
    pltpu.sync_copy(dinvbuf.at[pl.ds(obase, OUT_PER_TILE)],
                    cb.at[pl.ds(0, OUT_PER_TILE)])
    pltpu.sync_copy(cb.at[pl.ds(0, OUT_PER_TILE)],
                    out_hbm.at[pl.ds(NC * NPAD + obase, OUT_PER_TILE)])


def _sc_scale(ei_flat):
    mesh = plsc.VectorSubcoreMesh(core_axis_name="c", subcore_axis_name="s",
                                  num_cores=NC, num_subcores=NS)
    f = pl.kernel(
        _sc_body,
        out_type=jax.ShapeDtypeStruct(((NC + 1) * NPAD,), jnp.float32),
        mesh=mesh,
        compiler_params=pltpu.CompilerParams(needs_layout_passes=False),
        scratch_types=[
            pltpu.VMEM((EPT,), jnp.int32),
            pltpu.VMEM((EPT,), jnp.int32),
            pltpu.VMEM((2000,), jnp.float32),
            pltpu.VMEM((EPT,), jnp.float32),
            pltpu.VMEM((NODES_PER_TILE,), jnp.float32),
            pltpu.VMEM((NODES_PER_TILE,), jnp.float32),
            pltpu.VMEM((NODES_PER_TILE,), jnp.float32),
            pltpu.VMEM_SHARED((NPAD,), jnp.float32),
            pltpu.VMEM_SHARED((NPAD,), jnp.float32),
            pltpu.SemaphoreType.DMA,
            pltpu.SemaphoreType.DMA,
        ],
    )
    return f(ei_flat)


BN = 5000


def _dense_body(x_ref, s_ref, encwt_ref, encb_ref, decwt_ref, decb_ref,
                extw_ref, betar_ref, pww_ref, pwb_ref, out_ref):
    f32 = jnp.float32
    xb = x_ref[...]
    sb = s_ref[...]
    h = lax.dot_general(xb, encwt_ref[...], (((1,), (0,)), ((), ())),
                        preferred_element_type=f32)
    h = h + encb_ref[...]
    h0 = h
    rows = lax.broadcasted_iota(jnp.int32, (D, D), 0)
    cols = lax.broadcasted_iota(jnp.int32, (D, D), 1)
    for i in range(L):
        pw = pww_ref[i]
        wm = pw[:, :D]
        q = pw[:, D:D + 1]
        r = pw[:, D + 1:D + 2]
        w0u = jnp.where(cols > rows, wm, 0.0)
        w0 = w0u + w0u.T
        rowsum = jnp.sum(jnp.abs(w0), axis=1, keepdims=True)
        dvec = q * rowsum + r
        weff = w0 + jnp.where(rows == cols, dvec, 0.0)
        outp = lax.dot_general(h, weff, (((1,), (0,)), ((), ())),
                               preferred_element_type=f32)
        outp = outp + pwb_ref[i:i + 1, :]
        u = outp * sb - h * extw_ref[i:i + 1, :] - h0 * betar_ref[i:i + 1, :]
        h = h + STEP * jnp.maximum(u, 0.0)
    out = lax.dot_general(h, decwt_ref[...], (((1,), (0,)), ((), ())),
                          preferred_element_type=f32)
    out_ref[...] = out + decb_ref[...]


def _dense(x, s2, encwt, encb, decwt, decb, extw, betar, pww, pwb):
    return pl.pallas_call(
        _dense_body,
        grid=(N // BN,),
        in_specs=[
            pl.BlockSpec((BN, D), lambda i: (i, 0)),
            pl.BlockSpec((BN, 1), lambda i: (i, 0)),
            pl.BlockSpec((D, D), lambda i: (0, 0)),
            pl.BlockSpec((1, D), lambda i: (0, 0)),
            pl.BlockSpec((D, C), lambda i: (0, 0)),
            pl.BlockSpec((1, C), lambda i: (0, 0)),
            pl.BlockSpec((L, D), lambda i: (0, 0)),
            pl.BlockSpec((L, D), lambda i: (0, 0)),
            pl.BlockSpec((L, D, D + 2), lambda i: (0, 0, 0)),
            pl.BlockSpec((L, D), lambda i: (0, 0)),
        ],
        out_specs=pl.BlockSpec((BN, C), lambda i: (i, 0)),
        out_shape=jax.ShapeDtypeStruct((N, C), jnp.float32),
    )(x, s2, encwt, encb, decwt, decb, extw, betar, pww, pwb)


def kernel(x, edge_index, enc_w, enc_b, dec_w, dec_b, ext_w, betas, pw_W, pw_b):
    o = _sc_scale(edge_index.reshape(2 * E)).reshape(NC + 1, NPAD)
    s2 = ((o[0] + o[1]) * o[2])[:N].reshape(N, 1)
    return _dense(
        x, s2,
        enc_w.T, enc_b.reshape(1, D),
        dec_w.T, dec_b.reshape(1, C),
        ext_w.reshape(L, D),
        jnp.broadcast_to(betas.reshape(L, 1), (L, D)),
        pw_W, pw_b)

# --- scband reference (transcript-rebuilt; emitter-appended) ---
"""Pipeline reference for scband-physics-gnn-nc-66305705116250 (READ-ONLY COPY).

The authoritative reference and input builder live on the scoring server;
editing this copy changes nothing except your own understanding.
"""

import jax, jax.numpy as jnp
import numpy as np

N = 10000
E = 320000
D = 128
C = 40
L = 4
STEP = 0.1


def _pairwise_weight(W):
    # PairwiseParametrization: W raw is [D, D+2]
    W0 = jnp.triu(W[:, :-2], 1)
    W0 = W0 + W0.T
    q = W[:, -2]
    r = W[:, -1]
    w_diag = jnp.diag(q * jnp.sum(jnp.abs(W0), axis=1) + r)
    return W0 + w_diag


def _graff_conv(x, x0, edge_index, ext_w, beta, pwW, pwb):
    Weff = _pairwise_weight(pwW)
    out_p = x @ Weff.T + pwb
    row = edge_index[0]
    col = edge_index[1]
    # degree(row) as in torch_geometric.utils.degree
    deg = jnp.zeros((x.shape[0],), x.dtype).at[row].add(1.0)
    deg_inv = jnp.where(deg > 0, deg ** -0.5, 0.0)
    coef = deg_inv[row] * deg_inv[col]
    # message uses x_i = out_p[col] (PyG: x_i indexed by edge_index[1])
    msg = coef[:, None] * out_p[col]
    # aggr='add' scatters messages to dst = edge_index[1]
    out = jnp.zeros_like(out_p).at[col].add(msg)
    out = out - (x * ext_w + x0 * beta)
    return out


def _forward(x, edge_index, enc_w, enc_b, dec_w, dec_b, ext_w, betas, pw_W, pw_b):
    x = x @ enc_w.T + enc_b
    x0 = x
    for i in range(L):
        x = x + STEP * jax.nn.relu(_graff_conv(x, x0, edge_index, ext_w[i], betas[i], pw_W[i], pw_b[i]))
    return x @ dec_w.T + dec_b


def setup_inputs(seed: int = 0):
    key = jax.random.key(seed)
    ks = jax.random.split(key, 10)
    x = jax.random.normal(ks[0], (N, D), dtype=jnp.float32)
    edge_index = jax.random.randint(ks[1], (2, E), 0, N, dtype=jnp.int32)
    enc_w = jax.random.normal(ks[2], (D, D), dtype=jnp.float32) * 0.05
    enc_b = jnp.zeros((D,), jnp.float32)
    dec_w = jax.random.normal(ks[3], (C, D), dtype=jnp.float32) * 0.05
    dec_b = jnp.zeros((C,), jnp.float32)
    ext_w = jax.random.normal(ks[4], (L, 1, D), dtype=jnp.float32)
    betas = jax.random.normal(ks[5], (L,), dtype=jnp.float32)
    pw_W = jax.random.normal(ks[6], (L, D, D + 2), dtype=jnp.float32) * 0.05
    pw_b = jax.random.normal(ks[7], (L, D), dtype=jnp.float32) * 0.05
    return {"x": x, "edge_index": edge_index, "enc_w": enc_w, "enc_b": enc_b, "dec_w": dec_w, "dec_b": dec_b, "ext_w": ext_w, "betas": betas, "pw_W": pw_W, "pw_b": pw_b}


def reference(x, edge_index, enc_w, enc_b, dec_w, dec_b, ext_w, betas, pw_W, pw_b):
    return _forward(x, edge_index, enc_w, enc_b, dec_w, dec_b, ext_w, betas, pw_W, pw_b)

if __name__ == "__main__":
    import jax
    _d = setup_inputs()
    print(jax.jit(kernel)(*tuple(_d.values())))

</pallas_src>

<mosaic_0001>
#map = affine_map<(d0, d1) -> (0)>
module attributes {stable_mosaic.version = 14 : i64} {
  func.func @_sc_body(%arg0: i32, %arg1: i32, %arg2: memref<640000xi32, #tpu.memory_space<hbm>>, %arg3: memref<30720xf32, #tpu.memory_space<hbm>>, %arg4: memref<20000xi32, #tpu.memory_space<vmem>>, %arg5: memref<20000xi32, #tpu.memory_space<vmem>>, %arg6: memref<2000xf32, #tpu.memory_space<vmem>>, %arg7: memref<20000xf32, #tpu.memory_space<vmem>>, %arg8: memref<640xf32, #tpu.memory_space<vmem>>, %arg9: memref<640xf32, #tpu.memory_space<vmem>>, %arg10: memref<640xf32, #tpu.memory_space<vmem>>, %arg11: memref<10240xf32, #tpu.memory_space<vmem_shared>>, %arg12: memref<10240xf32, #tpu.memory_space<vmem_shared>>, %arg13: memref<!tpu.dma_semaphore, #tpu.memory_space<semaphore_mem>>, %arg14: memref<!tpu.dma_semaphore, #tpu.memory_space<semaphore_mem>>) attributes {dimension_semantics = [#tpu.dimension_semantics<core_parallel>, #tpu.dimension_semantics<subcore_parallel>], iteration_bounds = array<i64: 2, 16>, scalar_prefetch = 0 : i64, scratch_operands = 11 : i64, tpu.core_type = #tpu.core_type<sc_vector_subcore>, window_params = [{transform_indices = #map}, {transform_indices = #map}]} {
    %mul3A = arith.constant 20000 : i32
    %mul3A_0 = arith.muli %arg1, %mul3A : i32
    %dma_start3A = tpu.memref_slice %arg2[%mul3A_0] : memref<640000xi32, #tpu.memory_space<hbm>> -> memref<20000xi32, #tpu.memory_space<hbm>>
    %dma_start3A_1 = tpu.memref_slice %arg2[%mul3A_0] : memref<640000xi32, #tpu.memory_space<hbm>> -> memref<20000xi32, #tpu.memory_space<hbm>>
    tpu.enqueue_dma source(%dma_start3A_1 : memref<20000xi32, #tpu.memory_space<hbm>>) target(%arg4 : memref<20000xi32, #tpu.memory_space<vmem>>) target_semaphore(%arg13 : memref<!tpu.dma_semaphore, #tpu.memory_space<semaphore_mem>>)
    %mul3A_2 = arith.constant 20000 : i32
    %mul3A_3 = arith.muli %arg1, %mul3A_2 : i32
    %add3A = arith.constant 320000 : i32
    %add3A_4 = arith.addi %add3A, %mul3A_3 : i32
    %dma_start3A_5 = tpu.memref_slice %arg2[%add3A_4] : memref<640000xi32, #tpu.memory_space<hbm>> -> memref<20000xi32, #tpu.memory_space<hbm>>
    %dma_start3A_6 = tpu.memref_slice %arg2[%add3A_4] : memref<640000xi32, #tpu.memory_space<hbm>> -> memref<20000xi32, #tpu.memory_space<hbm>>
    tpu.enqueue_dma source(%dma_start3A_6 : memref<20000xi32, #tpu.memory_space<hbm>>) target(%arg5 : memref<20000xi32, #tpu.memory_space<vmem>>) target_semaphore(%arg13 : memref<!tpu.dma_semaphore, #tpu.memory_space<semaphore_mem>>)
    %scan3A = arith.constant 0 : i32
    %scan3A_7 = arith.constant 0 : i32
    %scan3A_8 = arith.constant 125 : i32
    %scan3A_9 = arith.addi %scan3A_7, %scan3A_8 : i32
    %scan3A_10 = arith.constant 1 : i32
    scf.for %scan3A_160 = %scan3A_7 to %scan3A_9 step %scan3A_10  : i32 {
      %broadcast_in_dim3A = arith.constant 1.000000e+00 : f32
      %broadcast_in_dim3A_161 = vector.broadcast %broadcast_in_dim3A : f32 to vector<16xf32>
      %mul3A_162 = arith.constant 16 : i32
      %mul3A_163 = arith.muli %scan3A_160, %mul3A_162 : i32
      %swap3A = arith.index_cast %mul3A_163 : i32 to index
      %swap3A_164 = tpu.vector_load %arg6[%swap3A] {strides = array<i32>} : memref<2000xf32, #tpu.memory_space<vmem>>, vector<16xf32>,
      tpu.vector_store %arg6[%swap3A], %broadcast_in_dim3A_161 {strides = array<i32>} : memref<2000xf32, #tpu.memory_space<vmem>>, vector<16xf32>,
    }
    %scan3A_11 = arith.constant 125 : i32
    %scan3A_12 = arith.constant 0 : i32
    %scan3A_13 = arith.constant 0 : i32
    %scan3A_14 = arith.constant 40 : i32
    %scan3A_15 = arith.addi %scan3A_13, %scan3A_14 : i32
    %scan3A_16 = arith.constant 1 : i32
    scf.for %scan3A_160 = %scan3A_13 to %scan3A_15 step %scan3A_16  : i32 {
      %broadcast_in_dim3A = arith.constant 0.000000e+00 : f32
      %broadcast_in_dim3A_161 = vector.broadcast %broadcast_in_dim3A : f32 to vector<16xf32>
      %mul3A_162 = arith.constant 16 : i32
      %mul3A_163 = arith.muli %scan3A_160, %mul3A_162 : i32
      %swap3A = arith.index_cast %mul3A_163 : i32 to index
      %swap3A_164 = tpu.vector_load %arg10[%swap3A] {strides = array<i32>} : memref<640xf32, #tpu.memory_space<vmem>>, vector<16xf32>,
      tpu.vector_store %arg10[%swap3A], %broadcast_in_dim3A_161 {strides = array<i32>} : memref<640xf32, #tpu.memory_space<vmem>>, vector<16xf32>,
    }
    %scan3A_17 = arith.constant 40 : i32
    %dma_wait3A = tpu.memref_slice %arg2[%mul3A_0] : memref<640000xi32, #tpu.memory_space<hbm>> -> memref<20000xi32, #tpu.memory_space<hbm>>
    %dma_wait3A_18 = tpu.memref_slice %arg2[%mul3A_0] : memref<640000xi32, #tpu.memory_space<hbm>> -> memref<20000xi32, #tpu.memory_space<hbm>>
    tpu.wait_dma2 semaphore(%arg13 : memref<!tpu.dma_semaphore, #tpu.memory_space<semaphore_mem>>) src(%dma_wait3A_18 : memref<20000xi32, #tpu.memory_space<hbm>>) dst(%arg4 : memref<20000xi32, #tpu.memory_space<vmem>>)
    %dma_wait3A_19 = tpu.memref_slice %arg2[%add3A_4] : memref<640000xi32, #tpu.memory_space<hbm>> -> memref<20000xi32, #tpu.memory_space<hbm>>
    %dma_wait3A_20 = tpu.memref_slice %arg2[%add3A_4] : memref<640000xi32, #tpu.memory_space<hbm>> -> memref<20000xi32, #tpu.memory_space<hbm>>
    tpu.wait_dma2 semaphore(%arg13 : memref<!tpu.dma_semaphore, #tpu.memory_space<semaphore_mem>>) src(%dma_wait3A_20 : memref<20000xi32, #tpu.memory_space<hbm>>) dst(%arg5 : memref<20000xi32, #tpu.memory_space<vmem>>)
    %mul3A_21 = arith.constant 640 : i32
    %mul3A_22 = arith.muli %arg1, %mul3A_21 : i32
    "tpu.region"() ({
      %run_scoped3A = tpu.sem_alloc : memref<!tpu.dma_semaphore, #tpu.memory_space<semaphore_mem>>
      %dma_start3A_160 = tpu.memref_slice %arg11[%mul3A_22] : memref<10240xf32, #tpu.memory_space<vmem_shared>> -> memref<640xf32, #tpu.memory_space<vmem_shared>>
      %dma_start3A_161 = tpu.memref_slice %arg11[%mul3A_22] : memref<10240xf32, #tpu.memory_space<vmem_shared>> -> memref<640xf32, #tpu.memory_space<vmem_shared>>
      tpu.enqueue_dma source(%arg10 : memref<640xf32, #tpu.memory_space<vmem>>) target(%dma_start3A_161 : memref<640xf32, #tpu.memory_space<vmem_shared>>) target_semaphore(%run_scoped3A : memref<!tpu.dma_semaphore, #tpu.memory_space<semaphore_mem>>)
      %dma_wait3A_162 = tpu.memref_slice %arg11[%mul3A_22] : memref<10240xf32, #tpu.memory_space<vmem_shared>> -> memref<640xf32, #tpu.memory_space<vmem_shared>>
      %dma_wait3A_163 = tpu.memref_slice %arg11[%mul3A_22] : memref<10240xf32, #tpu.memory_space<vmem_shared>> -> memref<640xf32, #tpu.memory_space<vmem_shared>>
      tpu.wait_dma2 semaphore(%run_scoped3A : memref<!tpu.dma_semaphore, #tpu.memory_space<semaphore_mem>>) src(%arg10 : memref<640xf32, #tpu.memory_space<vmem>>) dst(%dma_wait3A_163 : memref<640xf32, #tpu.memory_space<vmem_shared>>)
      tpu.yield
    }) : () -> ()
    %barrier3A = arith.constant 0 : index
    tpu.barrier barrier_id(%barrier3A)
    %scan3A_23 = arith.constant 0 : i32
    %scan3A_24 = arith.constant 0 : i32
    %scan3A_25 = arith.constant 2 : i32
    %scan3A_26 = arith.addi %scan3A_24, %scan3A_25 : i32
    %scan3A_27 = arith.constant 1 : i32
    scf.for %scan3A_160 = %scan3A_24 to %scan3A_26 step %scan3A_27  : i32 {
      %mul3A_161 = arith.constant 5 : i32
      %mul3A_162 = arith.muli %scan3A_160, %mul3A_161 : i32
      %add3A_163 = arith.constant 0 : i32
      %add3A_164 = arith.addi %mul3A_162, %add3A_163 : i32
      %mul3A_165 = arith.constant 2000 : i32
      %mul3A_166 = arith.muli %add3A_164, %mul3A_165 : i32
      %dma_start3A_167 = arith.constant 0 : i32
      %dma_start3A_168 = tpu.memref_slice %arg6[%dma_start3A_167] : memref<2000xf32, #tpu.memory_space<vmem>> -> memref<2000xf32, #tpu.memory_space<vmem>>
      %dma_start3A_169 = tpu.memref_slice %arg4[%mul3A_166] : memref<20000xi32, #tpu.memory_space<vmem>> -> memref<2000xi32, #tpu.memory_space<vmem>>
      %dma_start3A_170 = arith.constant 0 : i32
      %dma_start3A_171 = tpu.memref_slice %arg11[%dma_start3A_170] : memref<10240xf32, #tpu.memory_space<vmem_shared>> -> memref<10240xf32, #tpu.memory_space<vmem_shared>>
      tpu.enqueue_indirect_dma source(%dma_start3A_168 : memref<2000xf32, #tpu.memory_space<vmem>>) target(%dma_start3A_171 : memref<10240xf32, #tpu.memory_space<vmem_shared>>) offsets(%dma_start3A_169 : memref<2000xi32, #tpu.memory_space<vmem>>) semaphore(%arg13 : memref<!tpu.dma_semaphore, #tpu.memory_space<semaphore_mem>>) {add = true}
      %mul3A_172 = arith.constant 5 : i32
      %mul3A_173 = arith.muli %scan3A_160, %mul3A_172 : i32
      %add3A_174 = arith.constant 1 : i32
      %add3A_175 = arith.addi %mul3A_173, %add3A_174 : i32
      %mul3A_176 = arith.constant 2000 : i32
      %mul3A_177 = arith.muli %add3A_175, %mul3A_176 : i32
      %dma_start3A_178 = arith.constant 0 : i32
      %dma_start3A_179 = tpu.memref_slice %arg6[%dma_start3A_178] : memref<2000xf32, #tpu.memory_space<vmem>> -> memref<2000xf32, #tpu.memory_space<vmem>>
      %dma_start3A_180 = tpu.memref_slice %arg4[%mul3A_177] : memref<20000xi32, #tpu.memory_space<vmem>> -> memref<2000xi32, #tpu.memory_space<vmem>>
      %dma_start3A_181 = arith.constant 0 : i32
      %dma_start3A_182 = tpu.memref_slice %arg11[%dma_start3A_181] : memref<10240xf32, #tpu.memory_space<vmem_shared>> -> memref<10240xf32, #tpu.memory_space<vmem_shared>>
      tpu.enqueue_indirect_dma source(%dma_start3A_179 : memref<2000xf32, #tpu.memory_space<vmem>>) target(%dma_start3A_182 : memref<10240xf32, #tpu.memory_space<vmem_shared>>) offsets(%dma_start3A_180 : memref<2000xi32, #tpu.memory_space<vmem>>) semaphore(%arg13 : memref<!tpu.dma_semaphore, #tpu.memory_space<semaphore_mem>>) {add = true}
      %mul3A_183 = arith.constant 5 : i32
      %mul3A_184 = arith.muli %scan3A_160, %mul3A_183 : i32
      %add3A_185 = arith.constant 2 : i32
      %add3A_186 = arith.addi %mul3A_184, %add3A_185 : i32
      %mul3A_187 = arith.constant 2000 : i32
      %mul3A_188 = arith.muli %add3A_186, %mul3A_187 : i32
      %dma_start3A_189 = arith.constant 0 : i32
      %dma_start3A_190 = tpu.memref_slice %arg6[%dma_start3A_189] : memref<2000xf32, #tpu.memory_space<vmem>> -> memref<2000xf32, #tpu.memory_space<vmem>>
      %dma_start3A_191 = tpu.memref_slice %arg4[%mul3A_188] : memref<20000xi32, #tpu.memory_space<vmem>> -> memref<2000xi32, #tpu.memory_space<vmem>>
      %dma_start3A_192 = arith.constant 0 : i32
      %dma_start3A_193 = tpu.memref_slice %arg11[%dma_start3A_192] : memref<10240xf32, #tpu.memory_space<vmem_shared>> -> memref<10240xf32, #tpu.memory_space<vmem_shared>>
      tpu.enqueue_indirect_dma source(%dma_start3A_190 : memref<2000xf32, #tpu.memory_space<vmem>>) target(%dma_start3A_193 : memref<10240xf32, #tpu.memory_space<vmem_shared>>) offsets(%dma_start3A_191 : memref<2000xi32, #tpu.memory_space<vmem>>) semaphore(%arg13 : memref<!tpu.dma_semaphore, #tpu.memory_space<semaphore_mem>>) {add = true}
      %mul3A_194 = arith.constant 5 : i32
      %mul3A_195 = arith.muli %scan3A_160, %mul3A_194 : i32
      %add3A_196 = arith.constant 3 : i32
      %add3A_197 = arith.addi %mul3A_195, %add3A_196 : i32
      %mul3A_198 = arith.constant 2000 : i32
      %mul3A_199 = arith.muli %add3A_197, %mul3A_198 : i32
      %dma_start3A_200 = arith.constant 0 : i32
      %dma_start3A_201 = tpu.memref_slice %arg6[%dma_start3A_200] : memref<2000xf32, #tpu.memory_space<vmem>> -> memref<2000xf32, #tpu.memory_space<vmem>>
      %dma_start3A_202 = tpu.memref_slice %arg4[%mul3A_199] : memref<20000xi32, #tpu.memory_space<vmem>> -> memref<2000xi32, #tpu.memory_space<vmem>>
      %dma_start3A_203 = arith.constant 0 : i32
      %dma_start3A_204 = tpu.memref_slice %arg11[%dma_start3A_203] : memref<10240xf32, #tpu.memory_space<vmem_shared>> -> memref<10240xf32, #tpu.memory_space<vmem_shared>>
      tpu.enqueue_indirect_dma source(%dma_start3A_201 : memref<2000xf32, #tpu.memory_space<vmem>>) target(%dma_start3A_204 : memref<10240xf32, #tpu.memory_space<vmem_shared>>) offsets(%dma_start3A_202 : memref<2000xi32, #tpu.memory_space<vmem>>) semaphore(%arg13 : memref<!tpu.dma_semaphore, #tpu.memory_space<semaphore_mem>>) {add = true}
      %mul3A_205 = arith.constant 5 : i32
      %mul3A_206 = arith.muli %scan3A_160, %mul3A_205 : i32
      %add3A_207 = arith.constant 4 : i32
      %add3A_208 = arith.addi %mul3A_206, %add3A_207 : i32
      %mul3A_209 = arith.constant 2000 : i32
      %mul3A_210 = arith.muli %add3A_208, %mul3A_209 : i32
      %dma_start3A_211 = arith.constant 0 : i32
      %dma_start3A_212 = tpu.memref_slice %arg6[%dma_start3A_211] : memref<2000xf32, #tpu.memory_space<vmem>> -> memref<2000xf32, #tpu.memory_space<vmem>>
      %dma_start3A_213 = tpu.memref_slice %arg4[%mul3A_210] : memref<20000xi32, #tpu.memory_space<vmem>> -> memref<2000xi32, #tpu.memory_space<vmem>>
      %dma_start3A_214 = arith.constant 0 : i32
      %dma_start3A_215 = tpu.memref_slice %arg11[%dma_start3A_214] : memref<10240xf32, #tpu.memory_space<vmem_shared>> -> memref<10240xf32, #tpu.memory_space<vmem_shared>>
      tpu.enqueue_indirect_dma source(%dma_start3A_212 : memref<2000xf32, #tpu.memory_space<vmem>>) target(%dma_start3A_215 : memref<10240xf32, #tpu.memory_space<vmem_shared>>) offsets(%dma_start3A_213 : memref<2000xi32, #tpu.memory_space<vmem>>) semaphore(%arg13 : memref<!tpu.dma_semaphore, #tpu.memory_space<semaphore_mem>>) {add = true}
      %gt3A = arith.constant 0 : i32
      %gt3A_216 = arith.cmpi sgt, %scan3A_160, %gt3A : i32
      %convert_element_type3A = arith.extui %gt3A_216 : i1 to i32
      %cond3A = arith.constant 0 : i32
      %cond3A_217 = arith.cmpi ne, %convert_element_type3A, %cond3A : i32
      scf.if %cond3A_217 {
        %sub3A_218 = arith.constant 1 : i32
        %sub3A_219 = arith.subi %scan3A_160, %sub3A_218 : i32
        %mul3A_220 = arith.constant 5 : i32
        %mul3A_221 = arith.muli %sub3A_219, %mul3A_220 : i32
        %add3A_222 = arith.constant 0 : i32
        %add3A_223 = arith.addi %mul3A_221, %add3A_222 : i32
        %mul3A_224 = arith.constant 2000 : i32
        %mul3A_225 = arith.muli %add3A_223, %mul3A_224 : i32
        %dma_wait3A_226 = arith.constant 0 : i32
        %dma_wait3A_227 = tpu.memref_slice %arg6[%dma_wait3A_226] : memref<2000xf32, #tpu.memory_space<vmem>> -> memref<2000xf32, #tpu.memory_space<vmem>>
        %dma_wait3A_228 = tpu.memref_slice %arg4[%mul3A_225] : memref<20000xi32, #tpu.memory_space<vmem>> -> memref<2000xi32, #tpu.memory_space<vmem>>
        %dma_wait3A_229 = arith.constant 0 : i32
        %dma_wait3A_230 = tpu.memref_slice %arg11[%dma_wait3A_229] : memref<10240xf32, #tpu.memory_space<vmem_shared>> -> memref<10240xf32, #tpu.memory_space<vmem_shared>>
        tpu.wait_indirect_dma semaphore(%arg13 : memref<!tpu.dma_semaphore, #tpu.memory_space<semaphore_mem>>) src(%dma_wait3A_227 : memref<2000xf32, #tpu.memory_space<vmem>>) dst(%dma_wait3A_230 : memref<10240xf32, #tpu.memory_space<vmem_shared>>)
        %mul3A_231 = arith.constant 5 : i32
        %mul3A_232 = arith.muli %sub3A_219, %mul3A_231 : i32
        %add3A_233 = arith.constant 1 : i32
        %add3A_234 = arith.addi %mul3A_232, %add3A_233 : i32
        %mul3A_235 = arith.constant 2000 : i32
        %mul3A_236 = arith.muli %add3A_234, %mul3A_235 : i32
        %dma_wait3A_237 = arith.constant 0 : i32
        %dma_wait3A_238 = tpu.memref_slice %arg6[%dma_wait3A_237] : memref<2000xf32, #tpu.memory_space<vmem>> -> memref<2000xf32, #tpu.memory_space<vmem>>
        %dma_wait3A_239 = tpu.memref_slice %arg4[%mul3A_236] : memref<20000xi32, #tpu.memory_space<vmem>> -> memref<2000xi32, #tpu.memory_space<vmem>>
        %dma_wait3A_240 = arith.constant 0 : i32
        %dma_wait3A_241 = tpu.memref_slice %arg11[%dma_wait3A_240] : memref<10240xf32, #tpu.memory_space<vmem_shared>> -> memref<10240xf32, #tpu.memory_space<vmem_shared>>
        tpu.wait_indirect_dma semaphore(%arg13 : memref<!tpu.dma_semaphore, #tpu.memory_space<semaphore_mem>>) src(%dma_wait3A_238 : memref<2000xf32, #tpu.memory_space<vmem>>) dst(%dma_wait3A_241 : memref<10240xf32, #tpu.memory_space<vmem_shared>>)
        %mul3A_242 = arith.constant 5 : i32
        %mul3A_243 = arith.muli %sub3A_219, %mul3A_242 : i32
        %add3A_244 = arith.constant 2 : i32
        %add3A_245 = arith.addi %mul3A_243, %add3A_244 : i32
        %mul3A_246 = arith.constant 2000 : i32
        %mul3A_247 = arith.muli %add3A_245, %mul3A_246 : i32
        %dma_wait3A_248 = arith.constant 0 : i32
        %dma_wait3A_249 = tpu.memref_slice %arg6[%dma_wait3A_248] : memref<2000xf32, #tpu.memory_space<vmem>> -> memref<2000xf32, #tpu.memory_space<vmem>>
        %dma_wait3A_250 = tpu.memref_slice %arg4[%mul3A_247] : memref<20000xi32, #tpu.memory_space<vmem>> -> memref<2000xi32, #tpu.memory_space<vmem>>
        %dma_wait3A_251 = arith.constant 0 : i32
        %dma_wait3A_252 = tpu.memref_slice %arg11[%dma_wait3A_251] : memref<10240xf32, #tpu.memory_space<vmem_shared>> -> memref<10240xf32, #tpu.memory_space<vmem_shared>>
        tpu.wait_indirect_dma semaphore(%arg13 : memref<!tpu.dma_semaphore, #tpu.memory_space<semaphore_mem>>) src(%dma_wait3A_249 : memref<2000xf32, #tpu.memory_space<vmem>>) dst(%dma_wait3A_252 : memref<10240xf32, #tpu.memory_space<vmem_shared>>)
        %mul3A_253 = arith.constant 5 : i32
        %mul3A_254 = arith.muli %sub3A_219, %mul3A_253 : i32
        %add3A_255 = arith.constant 3 : i32
        %add3A_256 = arith.addi %mul3A_254, %add3A_255 : i32
        %mul3A_257 = arith.constant 2000 : i32
        %mul3A_258 = arith.muli %add3A_256, %mul3A_257 : i32
        %dma_wait3A_259 = arith.constant 0 : i32
        %dma_wait3A_260 = tpu.memref_slice %arg6[%dma_wait3A_259] : memref<2000xf32, #tpu.memory_space<vmem>> -> memref<2000xf32, #tpu.memory_space<vmem>>
        %dma_wait3A_261 = tpu.memref_slice %arg4[%mul3A_258] : memref<20000xi32, #tpu.memory_space<vmem>> -> memref<2000xi32, #tpu.memory_space<vmem>>
        %dma_wait3A_262 = arith.constant 0 : i32
        %dma_wait3A_263 = tpu.memref_slice %arg11[%dma_wait3A_262] : memref<10240xf32, #tpu.memory_space<vmem_shared>> -> memref<10240xf32, #tpu.memory_space<vmem_shared>>
        tpu.wait_indirect_dma semaphore(%arg13 : memref<!tpu.dma_semaphore, #tpu.memory_space<semaphore_mem>>) src(%dma_wait3A_260 : memref<2000xf32, #tpu.memory_space<vmem>>) dst(%dma_wait3A_263 : memref<10240xf32, #tpu.memory_space<vmem_shared>>)
        %mul3A_264 = arith.constant 5 : i32
        %mul3A_265 = arith.muli %sub3A_219, %mul3A_264 : i32
        %add3A_266 = arith.constant 4 : i32
        %add3A_267 = arith.addi %mul3A_265, %add3A_266 : i32
        %mul3A_268 = arith.constant 2000 : i32
        %mul3A_269 = arith.muli %add3A_267, %mul3A_268 : i32
        %dma_wait3A_270 = arith.constant 0 : i32
        %dma_wait3A_271 = tpu.memref_slice %arg6[%dma_wait3A_270] : memref<2000xf32, #tpu.memory_space<vmem>> -> memref<2000xf32, #tpu.memory_space<vmem>>
        %dma_wait3A_272 = tpu.memref_slice %arg4[%mul3A_269] : memref<20000xi32, #tpu.memory_space<vmem>> -> memref<2000xi32, #tpu.memory_space<vmem>>
        %dma_wait3A_273 = arith.constant 0 : i32
        %dma_wait3A_274 = tpu.memref_slice %arg11[%dma_wait3A_273] : memref<10240xf32, #tpu.memory_space<vmem_shared>> -> memref<10240xf32, #tpu.memory_space<vmem_shared>>
        tpu.wait_indirect_dma semaphore(%arg13 : memref<!tpu.dma_semaphore, #tpu.memory_space<semaphore_mem>>) src(%dma_wait3A_271 : memref<2000xf32, #tpu.memory_space<vmem>>) dst(%dma_wait3A_274 : memref<10240xf32, #tpu.memory_space<vmem_shared>>)
      } else {
      }
    }
    %scan3A_28 = arith.constant 2 : i32
    %dma_wait3A_29 = arith.constant 0 : i32
    %dma_wait3A_30 = tpu.memref_slice %arg6[%dma_wait3A_29] : memref<2000xf32, #tpu.memory_space<vmem>> -> memref<2000xf32, #tpu.memory_space<vmem>>
    %dma_wait3A_31 = arith.constant 10000 : i32
    %dma_wait3A_32 = tpu.memref_slice %arg4[%dma_wait3A_31] : memref<20000xi32, #tpu.memory_space<vmem>> -> memref<2000xi32, #tpu.memory_space<vmem>>
    %dma_wait3A_33 = arith.constant 0 : i32
    %dma_wait3A_34 = tpu.memref_slice %arg11[%dma_wait3A_33] : memref<10240xf32, #tpu.memory_space<vmem_shared>> -> memref<10240xf32, #tpu.memory_space<vmem_shared>>
    tpu.wait_indirect_dma semaphore(%arg13 : memref<!tpu.dma_semaphore, #tpu.memory_space<semaphore_mem>>) src(%dma_wait3A_30 : memref<2000xf32, #tpu.memory_space<vmem>>) dst(%dma_wait3A_34 : memref<10240xf32, #tpu.memory_space<vmem_shared>>)
    %dma_wait3A_35 = arith.constant 0 : i32
    %dma_wait3A_36 = tpu.memref_slice %arg6[%dma_wait3A_35] : memref<2000xf32, #tpu.memory_space<vmem>> -> memref<2000xf32, #tpu.memory_space<vmem>>
    %dma_wait3A_37 = arith.constant 12000 : i32
    %dma_wait3A_38 = tpu.memref_slice %arg4[%dma_wait3A_37] : memref<20000xi32, #tpu.memory_space<vmem>> -> memref<2000xi32, #tpu.memory_space<vmem>>
    %dma_wait3A_39 = arith.constant 0 : i32
    %dma_wait3A_40 = tpu.memref_slice %arg11[%dma_wait3A_39] : memref<10240xf32, #tpu.memory_space<vmem_shared>> -> memref<10240xf32, #tpu.memory_space<vmem_shared>>
    tpu.wait_indirect_dma semaphore(%arg13 : memref<!tpu.dma_semaphore, #tpu.memory_space<semaphore_mem>>) src(%dma_wait3A_36 : memref<2000xf32, #tpu.memory_space<vmem>>) dst(%dma_wait3A_40 : memref<10240xf32, #tpu.memory_space<vmem_shared>>)
    %dma_wait3A_41 = arith.constant 0 : i32
    %dma_wait3A_42 = tpu.memref_slice %arg6[%dma_wait3A_41] : memref<2000xf32, #tpu.memory_space<vmem>> -> memref<2000xf32, #tpu.memory_space<vmem>>
    %dma_wait3A_43 = arith.constant 14000 : i32
    %dma_wait3A_44 = tpu.memref_slice %arg4[%dma_wait3A_43] : memref<20000xi32, #tpu.memory_space<vmem>> -> memref<2000xi32, #tpu.memory_space<vmem>>
    %dma_wait3A_45 = arith.constant 0 : i32
    %dma_wait3A_46 = tpu.memref_slice %arg11[%dma_wait3A_45] : memref<10240xf32, #tpu.memory_space<vmem_shared>> -> memref<10240xf32, #tpu.memory_space<vmem_shared>>
    tpu.wait_indirect_dma semaphore(%arg13 : memref<!tpu.dma_semaphore, #tpu.memory_space<semaphore_mem>>) src(%dma_wait3A_42 : memref<2000xf32, #tpu.memory_space<vmem>>) dst(%dma_wait3A_46 : memref<10240xf32, #tpu.memory_space<vmem_shared>>)
    %dma_wait3A_47 = arith.constant 0 : i32
    %dma_wait3A_48 = tpu.memref_slice %arg6[%dma_wait3A_47] : memref<2000xf32, #tpu.memory_space<vmem>> -> memref<2000xf32, #tpu.memory_space<vmem>>
    %dma_wait3A_49 = arith.constant 16000 : i32
    %dma_wait3A_50 = tpu.memref_slice %arg4[%dma_wait3A_49] : memref<20000xi32, #tpu.memory_space<vmem>> -> memref<2000xi32, #tpu.memory_space<vmem>>
    %dma_wait3A_51 = arith.constant 0 : i32
    %dma_wait3A_52 = tpu.memref_slice %arg11[%dma_wait3A_51] : memref<10240xf32, #tpu.memory_space<vmem_shared>> -> memref<10240xf32, #tpu.memory_space<vmem_shared>>
    tpu.wait_indirect_dma semaphore(%arg13 : memref<!tpu.dma_semaphore, #tpu.memory_space<semaphore_mem>>) src(%dma_wait3A_48 : memref<2000xf32, #tpu.memory_space<vmem>>) dst(%dma_wait3A_52 : memref<10240xf32, #tpu.memory_space<vmem_shared>>)
    %dma_wait3A_53 = arith.constant 0 : i32
    %dma_wait3A_54 = tpu.memref_slice %arg6[%dma_wait3A_53] : memref<2000xf32, #tpu.memory_space<vmem>> -> memref<2000xf32, #tpu.memory_space<vmem>>
    %dma_wait3A_55 = arith.constant 18000 : i32
    %dma_wait3A_56 = tpu.memref_slice %arg4[%dma_wait3A_55] : memref<20000xi32, #tpu.memory_space<vmem>> -> memref<2000xi32, #tpu.memory_space<vmem>>
    %dma_wait3A_57 = arith.constant 0 : i32
    %dma_wait3A_58 = tpu.memref_slice %arg11[%dma_wait3A_57] : memref<10240xf32, #tpu.memory_space<vmem_shared>> -> memref<10240xf32, #tpu.memory_space<vmem_shared>>
    tpu.wait_indirect_dma semaphore(%arg13 : memref<!tpu.dma_semaphore, #tpu.memory_space<semaphore_mem>>) src(%dma_wait3A_54 : memref<2000xf32, #tpu.memory_space<vmem>>) dst(%dma_wait3A_58 : memref<10240xf32, #tpu.memory_space<vmem_shared>>)
    %barrier3A_59 = arith.constant 0 : index
    tpu.barrier barrier_id(%barrier3A_59)
    "tpu.region"() ({
      %run_scoped3A = tpu.sem_alloc : memref<!tpu.dma_semaphore, #tpu.memory_space<semaphore_mem>>
      %dma_start3A_160 = tpu.memref_slice %arg11[%mul3A_22] : memref<10240xf32, #tpu.memory_space<vmem_shared>> -> memref<640xf32, #tpu.memory_space<vmem_shared>>
      %dma_start3A_161 = tpu.memref_slice %arg11[%mul3A_22] : memref<10240xf32, #tpu.memory_space<vmem_shared>> -> memref<640xf32, #tpu.memory_space<vmem_shared>>
      tpu.enqueue_dma source(%dma_start3A_161 : memref<640xf32, #tpu.memory_space<vmem_shared>>) target(%arg8 : memref<640xf32, #tpu.memory_space<vmem>>) target_semaphore(%run_scoped3A : memref<!tpu.dma_semaphore, #tpu.memory_space<semaphore_mem>>)
      %dma_wait3A_162 = tpu.memref_slice %arg11[%mul3A_22] : memref<10240xf32, #tpu.memory_space<vmem_shared>> -> memref<640xf32, #tpu.memory_space<vmem_shared>>
      %dma_wait3A_163 = tpu.memref_slice %arg11[%mul3A_22] : memref<10240xf32, #tpu.memory_space<vmem_shared>> -> memref<640xf32, #tpu.memory_space<vmem_shared>>
      tpu.wait_dma2 semaphore(%run_scoped3A : memref<!tpu.dma_semaphore, #tpu.memory_space<semaphore_mem>>) src(%dma_wait3A_163 : memref<640xf32, #tpu.memory_space<vmem_shared>>) dst(%arg8 : memref<640xf32, #tpu.memory_space<vmem>>)
      tpu.yield
    }) : () -> ()
    "tpu.region"() ({
      %run_scoped3A = tpu.sem_alloc : memref<!tpu.dma_semaphore, #tpu.memory_space<semaphore_mem>>
      %dma_start3A_160 = tpu.memref_slice %arg11[%mul3A_22] : memref<10240xf32, #tpu.memory_space<vmem_shared>> -> memref<640xf32, #tpu.memory_space<vmem_shared>>
      %dma_start3A_161 = tpu.memref_slice %arg11[%mul3A_22] : memref<10240xf32, #tpu.memory_space<vmem_shared>> -> memref<640xf32, #tpu.memory_space<vmem_shared>>
      tpu.enqueue_dma source(%arg10 : memref<640xf32, #tpu.memory_space<vmem>>) target(%dma_start3A_161 : memref<640xf32, #tpu.memory_space<vmem_shared>>) target_semaphore(%run_scoped3A : memref<!tpu.dma_semaphore, #tpu.memory_space<semaphore_mem>>)
      %dma_wait3A_162 = tpu.memref_slice %arg11[%mul3A_22] : memref<10240xf32, #tpu.memory_space<vmem_shared>> -> memref<640xf32, #tpu.memory_space<vmem_shared>>
      %dma_wait3A_163 = tpu.memref_slice %arg11[%mul3A_22] : memref<10240xf32, #tpu.memory_space<vmem_shared>> -> memref<640xf32, #tpu.memory_space<vmem_shared>>
      tpu.wait_dma2 semaphore(%run_scoped3A : memref<!tpu.dma_semaphore, #tpu.memory_space<semaphore_mem>>) src(%arg10 : memref<640xf32, #tpu.memory_space<vmem>>) dst(%dma_wait3A_163 : memref<640xf32, #tpu.memory_space<vmem_shared>>)
      tpu.yield
    }) : () -> ()
    %scan3A_60 = arith.constant 0 : i32
    %scan3A_61 = arith.constant 0 : i32
    %scan3A_62 = arith.constant 40 : i32
    %scan3A_63 = arith.addi %scan3A_61, %scan3A_62 : i32
    %scan3A_64 = arith.constant 1 : i32
    scf.for %scan3A_160 = %scan3A_61 to %scan3A_63 step %scan3A_64  : i32 {
      %mul3A_161 = arith.constant 16 : i32
      %mul3A_162 = arith.muli %scan3A_160, %mul3A_161 : i32
      %get3A = arith.index_cast %mul3A_162 : i32 to index
      %get3A_163 = tpu.vector_load %arg8[%get3A] {strides = array<i32>} : memref<640xf32, #tpu.memory_space<vmem>>, vector<16xf32>,
      %bitcast3A = vector.bitcast %get3A_163 : vector<16xf32> to vector<16xi32>
      %shift_right_logical3A = arith.constant 1 : i32
      %shift_right_logical3A_164 = vector.broadcast %shift_right_logical3A : i32 to vector<16xi32>
      %shift_right_logical3A_165 = arith.shrui %bitcast3A, %shift_right_logical3A_164 : vector<16xi32>
      %sub3A_166 = arith.constant 1597463007 : i32
      %sub3A_167 = vector.broadcast %sub3A_166 : i32 to vector<16xi32>
      %sub3A_168 = arith.subi %sub3A_167, %shift_right_logical3A_165 : vector<16xi32>
      %bitcast3A_169 = vector.bitcast %sub3A_168 : vector<16xi32> to vector<16xf32>
      %mul3A_170 = arith.constant 5.000000e-01 : f32
      %mul3A_171 = vector.broadcast %mul3A_170 : f32 to vector<16xf32>
      %mul3A_172 = arith.mulf %mul3A_171, %get3A_163 : vector<16xf32>
      %mul3A_173 = arith.mulf %mul3A_172, %bitcast3A_169 : vector<16xf32>
      %mul3A_174 = arith.mulf %mul3A_173, %bitcast3A_169 : vector<16xf32>
      %sub3A_175 = arith.constant 1.500000e+00 : f32
      %sub3A_176 = vector.broadcast %sub3A_175 : f32 to vector<16xf32>
      %sub3A_177 = arith.subf %sub3A_176, %mul3A_174 : vector<16xf32>
      %mul3A_178 = arith.mulf %bitcast3A_169, %sub3A_177 : vector<16xf32>
      %mul3A_179 = arith.constant 5.000000e-01 : f32
      %mul3A_180 = vector.broadcast %mul3A_179 : f32 to vector<16xf32>
      %mul3A_181 = arith.mulf %mul3A_180, %get3A_163 : vector<16xf32>
      %mul3A_182 = arith.mulf %mul3A_181, %mul3A_178 : vector<16xf32>
      %mul3A_183 = arith.mulf %mul3A_182, %mul3A_178 : vector<16xf32>
      %sub3A_184 = arith.constant 1.500000e+00 : f32
      %sub3A_185 = vector.broadcast %sub3A_184 : f32 to vector<16xf32>
      %sub3A_186 = arith.subf %sub3A_185, %mul3A_183 : vector<16xf32>
      %mul3A_187 = arith.mulf %mul3A_178, %sub3A_186 : vector<16xf32>
      %mul3A_188 = arith.constant 5.000000e-01 : f32
      %mul3A_189 = vector.broadcast %mul3A_188 : f32 to vector<16xf32>
      %mul3A_190 = arith.mulf %mul3A_189, %get3A_163 : vector<16xf32>
      %mul3A_191 = arith.mulf %mul3A_190, %mul3A_187 : vector<16xf32>
      %mul3A_192 = arith.mulf %mul3A_191, %mul3A_187 : vector<16xf32>
      %sub3A_193 = arith.constant 1.500000e+00 : f32
      %sub3A_194 = vector.broadcast %sub3A_193 : f32 to vector<16xf32>
      %sub3A_195 = arith.subf %sub3A_194, %mul3A_192 : vector<16xf32>
      %mul3A_196 = arith.mulf %mul3A_187, %sub3A_195 : vector<16xf32>
      %gt3A = arith.constant 5.000000e-01 : f32
      %gt3A_197 = vector.broadcast %gt3A : f32 to vector<16xf32>
      %gt3A_198 = arith.cmpf ogt, %get3A_163, %gt3A_197 : vector<16xf32>
      %jit3A_199 = arith.constant 0.000000e+00 : f32
      %broadcast_in_dim3A = vector.broadcast %jit3A_199 : f32 to vector<16xf32>
      %select_n3A_200 = arith.select %gt3A_198, %mul3A_196, %broadcast_in_dim3A : vector<16xi1>, vector<16xf32>
      %mul3A_201 = arith.constant 16 : i32
      %mul3A_202 = arith.muli %scan3A_160, %mul3A_201 : i32
      %swap3A = arith.index_cast %mul3A_202 : i32 to index
      %swap3A_203 = tpu.vector_load %arg9[%swap3A] {strides = array<i32>} : memref<640xf32, #tpu.memory_space<vmem>>, vector<16xf32>,
      tpu.vector_store %arg9[%swap3A], %select_n3A_200 {strides = array<i32>} : memref<640xf32, #tpu.memory_space<vmem>>, vector<16xf32>,
    }
    %scan3A_65 = arith.constant 40 : i32
    "tpu.region"() ({
      %run_scoped3A = tpu.sem_alloc : memref<!tpu.dma_semaphore, #tpu.memory_space<semaphore_mem>>
      %dma_start3A_160 = tpu.memref_slice %arg12[%mul3A_22] : memref<10240xf32, #tpu.memory_space<vmem_shared>> -> memref<640xf32, #tpu.memory_space<vmem_shared>>
      %dma_start3A_161 = tpu.memref_slice %arg12[%mul3A_22] : memref<10240xf32, #tpu.memory_space<vmem_shared>> -> memref<640xf32, #tpu.memory_space<vmem_shared>>
      tpu.enqueue_dma source(%arg9 : memref<640xf32, #tpu.memory_space<vmem>>) target(%dma_start3A_161 : memref<640xf32, #tpu.memory_space<vmem_shared>>) target_semaphore(%run_scoped3A : memref<!tpu.dma_semaphore, #tpu.memory_space<semaphore_mem>>)
      %dma_wait3A_162 = tpu.memref_slice %arg12[%mul3A_22] : memref<10240xf32, #tpu.memory_space<vmem_shared>> -> memref<640xf32, #tpu.memory_space<vmem_shared>>
      %dma_wait3A_163 = tpu.memref_slice %arg12[%mul3A_22] : memref<10240xf32, #tpu.memory_space<vmem_shared>> -> memref<640xf32, #tpu.memory_space<vmem_shared>>
      tpu.wait_dma2 semaphore(%run_scoped3A : memref<!tpu.dma_semaphore, #tpu.memory_space<semaphore_mem>>) src(%arg9 : memref<640xf32, #tpu.memory_space<vmem>>) dst(%dma_wait3A_163 : memref<640xf32, #tpu.memory_space<vmem_shared>>)
      tpu.yield
    }) : () -> ()
    %barrier3A_66 = arith.constant 0 : index
    tpu.barrier barrier_id(%barrier3A_66)
    %mul3A_67 = arith.constant 5 : i32
    %mul3A_68 = arith.muli %arg0, %mul3A_67 : i32
    %jit3A = arith.constant 5 : i32
    %div3A = arith.divsi %mul3A_68, %jit3A : i32
    %sign3A = arith.constant 0 : i32
    %sign3A_69 = arith.cmpi sgt, %mul3A_68, %sign3A : i32
    %sign3A_70 = arith.extui %sign3A_69 : i1 to i32
    %sign3A_71 = arith.constant 0 : i32
    %sign3A_72 = arith.cmpi slt, %mul3A_68, %sign3A_71 : i32
    %sign3A_73 = arith.extui %sign3A_72 : i1 to i32
    %sign3A_74 = arith.subi %sign3A_70, %sign3A_73 : i32
    %sign3A_75 = arith.constant 0 : i32
    %sign3A_76 = arith.cmpi sgt, %jit3A, %sign3A_75 : i32
    %sign3A_77 = arith.extui %sign3A_76 : i1 to i32
    %sign3A_78 = arith.constant 0 : i32
    %sign3A_79 = arith.cmpi slt, %jit3A, %sign3A_78 : i32
    %sign3A_80 = arith.extui %sign3A_79 : i1 to i32
    %sign3A_81 = arith.subi %sign3A_77, %sign3A_80 : i32
    %ne3A = arith.cmpi ne, %sign3A_74, %sign3A_81 : i32
    %rem3A = arith.remsi %mul3A_68, %jit3A : i32
    %ne3A_82 = arith.constant 0 : i32
    %ne3A_83 = arith.cmpi ne, %rem3A, %ne3A_82 : i32
    %and3A = arith.andi %ne3A, %ne3A_83 : i1
    %sub3A = arith.constant 1 : i32
    %sub3A_84 = arith.subi %div3A, %sub3A : i32
    %select_n3A = arith.select %and3A, %sub3A_84, %div3A : i32
    %add3A_85 = arith.constant 1 : i32
    %add3A_86 = arith.addi %select_n3A, %add3A_85 : i32
    %while3A = arith.constant 0 : i32
    %while3A_87 = arith.subi %add3A_86, %select_n3A : i32
    %while3A_88 = arith.addi %select_n3A, %while3A_87 : i32
    %while3A_89 = arith.constant 1 : i32
    %while3A_90 = arith.divsi %while3A_87, %while3A_89 : i32
    %while3A_91 = arith.muli %while3A_90, %while3A_89 : i32
    %while3A_92 = arith.addi %select_n3A, %while3A_91 : i32
    %while3A_93 = arith.constant 1 : i32
    scf.for %while3A_160 = %select_n3A to %while3A_92 step %while3A_93  : i32 {
      %mul3A_161 = arith.constant 5 : i32
      %mul3A_162 = arith.muli %while3A_160, %mul3A_161 : i32
      %add3A_163 = arith.constant 0 : i32
      %add3A_164 = arith.addi %mul3A_162, %add3A_163 : i32
      %mul3A_165 = arith.constant 2000 : i32
      %mul3A_166 = arith.muli %add3A_164, %mul3A_165 : i32
      %mul3A_167 = arith.constant 5 : i32
      %mul3A_168 = arith.muli %while3A_160, %mul3A_167 : i32
      %add3A_169 = arith.constant 0 : i32
      %add3A_170 = arith.addi %mul3A_168, %add3A_169 : i32
      %mul3A_171 = arith.constant 2000 : i32
      %mul3A_172 = arith.muli %add3A_170, %mul3A_171 : i32
      %dma_start3A_173 = tpu.memref_slice %arg7[%mul3A_172] : memref<20000xf32, #tpu.memory_space<vmem>> -> memref<2000xf32, #tpu.memory_space<vmem>>
      %dma_start3A_174 = tpu.memref_slice %arg4[%mul3A_166] : memref<20000xi32, #tpu.memory_space<vmem>> -> memref<2000xi32, #tpu.memory_space<vmem>>
      %dma_start3A_175 = arith.constant 0 : i32
      %dma_start3A_176 = tpu.memref_slice %arg12[%dma_start3A_175] : memref<10240xf32, #tpu.memory_space<vmem_shared>> -> memref<10240xf32, #tpu.memory_space<vmem_shared>>
      tpu.enqueue_indirect_dma source(%dma_start3A_176 : memref<10240xf32, #tpu.memory_space<vmem_shared>>) target(%dma_start3A_173 : memref<2000xf32, #tpu.memory_space<vmem>>) offsets(%dma_start3A_174 : memref<2000xi32, #tpu.memory_space<vmem>>) semaphore(%arg13 : memref<!tpu.dma_semaphore, #tpu.memory_space<semaphore_mem>>)
      %mul3A_177 = arith.constant 5 : i32
      %mul3A_178 = arith.muli %while3A_160, %mul3A_177 : i32
      %add3A_179 = arith.constant 1 : i32
      %add3A_180 = arith.addi %mul3A_178, %add3A_179 : i32
      %mul3A_181 = arith.constant 2000 : i32
      %mul3A_182 = arith.muli %add3A_180, %mul3A_181 : i32
      %mul3A_183 = arith.constant 5 : i32
      %mul3A_184 = arith.muli %while3A_160, %mul3A_183 : i32
      %add3A_185 = arith.constant 1 : i32
      %add3A_186 = arith.addi %mul3A_184, %add3A_185 : i32
      %mul3A_187 = arith.constant 2000 : i32
      %mul3A_188 = arith.muli %add3A_186, %mul3A_187 : i32
      %dma_start3A_189 = tpu.memref_slice %arg7[%mul3A_188] : memref<20000xf32, #tpu.memory_space<vmem>> -> memref<2000xf32, #tpu.memory_space<vmem>>
      %dma_start3A_190 = tpu.memref_slice %arg4[%mul3A_182] : memref<20000xi32, #tpu.memory_space<vmem>> -> memref<2000xi32, #tpu.memory_space<vmem>>
      %dma_start3A_191 = arith.constant 0 : i32
      %dma_start3A_192 = tpu.memref_slice %arg12[%dma_start3A_191] : memref<10240xf32, #tpu.memory_space<vmem_shared>> -> memref<10240xf32, #tpu.memory_space<vmem_shared>>
      tpu.enqueue_indirect_dma source(%dma_start3A_192 : memref<10240xf32, #tpu.memory_space<vmem_shared>>) target(%dma_start3A_189 : memref<2000xf32, #tpu.memory_space<vmem>>) offsets(%dma_start3A_190 : memref<2000xi32, #tpu.memory_space<vmem>>) semaphore(%arg13 : memref<!tpu.dma_semaphore, #tpu.memory_space<semaphore_mem>>)
      %mul3A_193 = arith.constant 5 : i32
      %mul3A_194 = arith.muli %while3A_160, %mul3A_193 : i32
      %add3A_195 = arith.constant 2 : i32
      %add3A_196 = arith.addi %mul3A_194, %add3A_195 : i32
      %mul3A_197 = arith.constant 2000 : i32
      %mul3A_198 = arith.muli %add3A_196, %mul3A_197 : i32
      %mul3A_199 = arith.constant 5 : i32
      %mul3A_200 = arith.muli %while3A_160, %mul3A_199 : i32
      %add3A_201 = arith.constant 2 : i32
      %add3A_202 = arith.addi %mul3A_200, %add3A_201 : i32
      %mul3A_203 = arith.constant 2000 : i32
      %mul3A_204 = arith.muli %add3A_202, %mul3A_203 : i32
      %dma_start3A_205 = tpu.memref_slice %arg7[%mul3A_204] : memref<20000xf32, #tpu.memory_space<vmem>> -> memref<2000xf32, #tpu.memory_space<vmem>>
      %dma_start3A_206 = tpu.memref_slice %arg4[%mul3A_198] : memref<20000xi32, #tpu.memory_space<vmem>> -> memref<2000xi32, #tpu.memory_space<vmem>>
      %dma_start3A_207 = arith.constant 0 : i32
      %dma_start3A_208 = tpu.memref_slice %arg12[%dma_start3A_207] : memref<10240xf32, #tpu.memory_space<vmem_shared>> -> memref<10240xf32, #tpu.memory_space<vmem_shared>>
      tpu.enqueue_indirect_dma source(%dma_start3A_208 : memref<10240xf32, #tpu.memory_space<vmem_shared>>) target(%dma_start3A_205 : memref<2000xf32, #tpu.memory_space<vmem>>) offsets(%dma_start3A_206 : memref<2000xi32, #tpu.memory_space<vmem>>) semaphore(%arg13 : memref<!tpu.dma_semaphore, #tpu.memory_space<semaphore_mem>>)
      %mul3A_209 = arith.constant 5 : i32
      %mul3A_210 = arith.muli %while3A_160, %mul3A_209 : i32
      %add3A_211 = arith.constant 3 : i32
      %add3A_212 = arith.addi %mul3A_210, %add3A_211 : i32
      %mul3A_213 = arith.constant 2000 : i32
      %mul3A_214 = arith.muli %add3A_212, %mul3A_213 : i32
      %mul3A_215 = arith.constant 5 : i32
      %mul3A_216 = arith.muli %while3A_160, %mul3A_215 : i32
      %add3A_217 = arith.constant 3 : i32
      %add3A_218 = arith.addi %mul3A_216, %add3A_217 : i32
      %mul3A_219 = arith.constant 2000 : i32
      %mul3A_220 = arith.muli %add3A_218, %mul3A_219 : i32
      %dma_start3A_221 = tpu.memref_slice %arg7[%mul3A_220] : memref<20000xf32, #tpu.memory_space<vmem>> -> memref<2000xf32, #tpu.memory_space<vmem>>
      %dma_start3A_222 = tpu.memref_slice %arg4[%mul3A_214] : memref<20000xi32, #tpu.memory_space<vmem>> -> memref<2000xi32, #tpu.memory_space<vmem>>
      %dma_start3A_223 = arith.constant 0 : i32
      %dma_start3A_224 = tpu.memref_slice %arg12[%dma_start3A_223] : memref<10240xf32, #tpu.memory_space<vmem_shared>> -> memref<10240xf32, #tpu.memory_space<vmem_shared>>
      tpu.enqueue_indirect_dma source(%dma_start3A_224 : memref<10240xf32, #tpu.memory_space<vmem_shared>>) target(%dma_start3A_221 : memref<2000xf32, #tpu.memory_space<vmem>>) offsets(%dma_start3A_222 : memref<2000xi32, #tpu.memory_space<vmem>>) semaphore(%arg13 : memref<!tpu.dma_semaphore, #tpu.memory_space<semaphore_mem>>)
      %mul3A_225 = arith.constant 5 : i32
      %mul3A_226 = arith.muli %while3A_160, %mul3A_225 : i32
      %add3A_227 = arith.constant 4 : i32
      %add3A_228 = arith.addi %mul3A_226, %add3A_227 : i32
      %mul3A_229 = arith.constant 2000 : i32
      %mul3A_230 = arith.muli %add3A_228, %mul3A_229 : i32
      %mul3A_231 = arith.constant 5 : i32
      %mul3A_232 = arith.muli %while3A_160, %mul3A_231 : i32
      %add3A_233 = arith.constant 4 : i32
      %add3A_234 = arith.addi %mul3A_232, %add3A_233 : i32
      %mul3A_235 = arith.constant 2000 : i32
      %mul3A_236 = arith.muli %add3A_234, %mul3A_235 : i32
      %dma_start3A_237 = tpu.memref_slice %arg7[%mul3A_236] : memref<20000xf32, #tpu.memory_space<vmem>> -> memref<2000xf32, #tpu.memory_space<vmem>>
      %dma_start3A_238 = tpu.memref_slice %arg4[%mul3A_230] : memref<20000xi32, #tpu.memory_space<vmem>> -> memref<2000xi32, #tpu.memory_space<vmem>>
      %dma_start3A_239 = arith.constant 0 : i32
      %dma_start3A_240 = tpu.memref_slice %arg12[%dma_start3A_239] : memref<10240xf32, #tpu.memory_space<vmem_shared>> -> memref<10240xf32, #tpu.memory_space<vmem_shared>>
      tpu.enqueue_indirect_dma source(%dma_start3A_240 : memref<10240xf32, #tpu.memory_space<vmem_shared>>) target(%dma_start3A_237 : memref<2000xf32, #tpu.memory_space<vmem>>) offsets(%dma_start3A_238 : memref<2000xi32, #tpu.memory_space<vmem>>) semaphore(%arg13 : memref<!tpu.dma_semaphore, #tpu.memory_space<semaphore_mem>>)
      %gt3A = arith.cmpi sgt, %while3A_160, %select_n3A : i32
      %convert_element_type3A = arith.extui %gt3A : i1 to i32
      %cond3A = arith.constant 0 : i32
      %cond3A_241 = arith.cmpi ne, %convert_element_type3A, %cond3A : i32
      scf.if %cond3A_241 {
        %sub3A_312 = arith.constant 1 : i32
        %sub3A_313 = arith.subi %while3A_160, %sub3A_312 : i32
        %mul3A_314 = arith.constant 5 : i32
        %mul3A_315 = arith.muli %sub3A_313, %mul3A_314 : i32
        %add3A_316 = arith.constant 0 : i32
        %add3A_317 = arith.addi %mul3A_315, %add3A_316 : i32
        %mul3A_318 = arith.constant 2000 : i32
        %mul3A_319 = arith.muli %add3A_317, %mul3A_318 : i32
        %dma_wait3A_320 = tpu.memref_slice %arg7[%mul3A_319] : memref<20000xf32, #tpu.memory_space<vmem>> -> memref<2000xf32, #tpu.memory_space<vmem>>
        %dma_wait3A_321 = tpu.memref_slice %arg5[%mul3A_319] : memref<20000xi32, #tpu.memory_space<vmem>> -> memref<2000xi32, #tpu.memory_space<vmem>>
        %dma_wait3A_322 = arith.constant 0 : i32
        %dma_wait3A_323 = tpu.memref_slice %arg11[%dma_wait3A_322] : memref<10240xf32, #tpu.memory_space<vmem_shared>> -> memref<10240xf32, #tpu.memory_space<vmem_shared>>
        tpu.wait_indirect_dma semaphore(%arg14 : memref<!tpu.dma_semaphore, #tpu.memory_space<semaphore_mem>>) src(%dma_wait3A_320 : memref<2000xf32, #tpu.memory_space<vmem>>) dst(%dma_wait3A_323 : memref<10240xf32, #tpu.memory_space<vmem_shared>>)
        %mul3A_324 = arith.constant 5 : i32
        %mul3A_325 = arith.muli %sub3A_313, %mul3A_324 : i32
        %add3A_326 = arith.constant 1 : i32
        %add3A_327 = arith.addi %mul3A_325, %add3A_326 : i32
        %mul3A_328 = arith.constant 2000 : i32
        %mul3A_329 = arith.muli %add3A_327, %mul3A_328 : i32
        %dma_wait3A_330 = tpu.memref_slice %arg7[%mul3A_329] : memref<20000xf32, #tpu.memory_space<vmem>> -> memref<2000xf32, #tpu.memory_space<vmem>>
        %dma_wait3A_331 = tpu.memref_slice %arg5[%mul3A_329] : memref<20000xi32, #tpu.memory_space<vmem>> -> memref<2000xi32, #tpu.memory_space<vmem>>
        %dma_wait3A_332 = arith.constant 0 : i32
        %dma_wait3A_333 = tpu.memref_slice %arg11[%dma_wait3A_332] : memref<10240xf32, #tpu.memory_space<vmem_shared>> -> memref<10240xf32, #tpu.memory_space<vmem_shared>>
        tpu.wait_indirect_dma semaphore(%arg14 : memref<!tpu.dma_semaphore, #tpu.memory_space<semaphore_mem>>) src(%dma_wait3A_330 : memref<2000xf32, #tpu.memory_space<vmem>>) dst(%dma_wait3A_333 : memref<10240xf32, #tpu.memory_space<vmem_shared>>)
        %mul3A_334 = arith.constant 5 : i32
        %mul3A_335 = arith.muli %sub3A_313, %mul3A_334 : i32
        %add3A_336 = arith.constant 2 : i32
        %add3A_337 = arith.addi %mul3A_335, %add3A_336 : i32
        %mul3A_338 = arith.constant 2000 : i32
        %mul3A_339 = arith.muli %add3A_337, %mul3A_338 : i32
        %dma_wait3A_340 = tpu.memref_slice %arg7[%mul3A_339] : memref<20000xf32, #tpu.memory_space<vmem>> -> memref<2000xf32, #tpu.memory_space<vmem>>
        %dma_wait3A_341 = tpu.memref_slice %arg5[%mul3A_339] : memref<20000xi32, #tpu.memory_space<vmem>> -> memref<2000xi32, #tpu.memory_space<vmem>>
        %dma_wait3A_342 = arith.constant 0 : i32
        %dma_wait3A_343 = tpu.memref_slice %arg11[%dma_wait3A_342] : memref<10240xf32, #tpu.memory_space<vmem_shared>> -> memref<10240xf32, #tpu.memory_space<vmem_shared>>
        tpu.wait_indirect_dma semaphore(%arg14 : memref<!tpu.dma_semaphore, #tpu.memory_space<semaphore_mem>>) src(%dma_wait3A_340 : memref<2000xf32, #tpu.memory_space<vmem>>) dst(%dma_wait3A_343 : memref<10240xf32, #tpu.memory_space<vmem_shared>>)
        %mul3A_344 = arith.constant 5 : i32
        %mul3A_345 = arith.muli %sub3A_313, %mul3A_344 : i32
        %add3A_346 = arith.constant 3 : i32
        %add3A_347 = arith.addi %mul3A_345, %add3A_346 : i32
        %mul3A_348 = arith.constant 2000 : i32
        %mul3A_349 = arith.muli %add3A_347, %mul3A_348 : i32
        %dma_wait3A_350 = tpu.memref_slice %arg7[%mul3A_349] : memref<20000xf32, #tpu.memory_space<vmem>> -> memref<2000xf32, #tpu.memory_space<vmem>>
        %dma_wait3A_351 = tpu.memref_slice %arg5[%mul3A_349] : memref<20000xi32, #tpu.memory_space<vmem>> -> memref<2000xi32, #tpu.memory_space<vmem>>
        %dma_wait3A_352 = arith.constant 0 : i32
        %dma_wait3A_353 = tpu.memref_slice %arg11[%dma_wait3A_352] : memref<10240xf32, #tpu.memory_space<vmem_shared>> -> memref<10240xf32, #tpu.memory_space<vmem_shared>>
        tpu.wait_indirect_dma semaphore(%arg14 : memref<!tpu.dma_semaphore, #tpu.memory_space<semaphore_mem>>) src(%dma_wait3A_350 : memref<2000xf32, #tpu.memory_space<vmem>>) dst(%dma_wait3A_353 : memref<10240xf32, #tpu.memory_space<vmem_shared>>)
        %mul3A_354 = arith.constant 5 : i32
        %mul3A_355 = arith.muli %sub3A_313, %mul3A_354 : i32
        %add3A_356 = arith.constant 4 : i32
        %add3A_357 = arith.addi %mul3A_355, %add3A_356 : i32
        %mul3A_358 = arith.constant 2000 : i32
        %mul3A_359 = arith.muli %add3A_357, %mul3A_358 : i32
        %dma_wait3A_360 = tpu.memref_slice %arg7[%mul3A_359] : memref<20000xf32, #tpu.memory_space<vmem>> -> memref<2000xf32, #tpu.memory_space<vmem>>
        %dma_wait3A_361 = tpu.memref_slice %arg5[%mul3A_359] : memref<20000xi32, #tpu.memory_space<vmem>> -> memref<2000xi32, #tpu.memory_space<vmem>>
        %dma_wait3A_362 = arith.constant 0 : i32
        %dma_wait3A_363 = tpu.memref_slice %arg11[%dma_wait3A_362] : memref<10240xf32, #tpu.memory_space<vmem_shared>> -> memref<10240xf32, #tpu.memory_space<vmem_shared>>
        tpu.wait_indirect_dma semaphore(%arg14 : memref<!tpu.dma_semaphore, #tpu.memory_space<semaphore_mem>>) src(%dma_wait3A_360 : memref<2000xf32, #tpu.memory_space<vmem>>) dst(%dma_wait3A_363 : memref<10240xf32, #tpu.memory_space<vmem_shared>>)
      } else {
      }
      %dma_wait3A_242 = tpu.memref_slice %arg7[%mul3A_172] : memref<20000xf32, #tpu.memory_space<vmem>> -> memref<2000xf32, #tpu.memory_space<vmem>>
      %dma_wait3A_243 = tpu.memref_slice %arg4[%mul3A_166] : memref<20000xi32, #tpu.memory_space<vmem>> -> memref<2000xi32, #tpu.memory_space<vmem>>
      %dma_wait3A_244 = arith.constant 0 : i32
      %dma_wait3A_245 = tpu.memref_slice %arg12[%dma_wait3A_244] : memref<10240xf32, #tpu.memory_space<vmem_shared>> -> memref<10240xf32, #tpu.memory_space<vmem_shared>>
      tpu.wait_indirect_dma semaphore(%arg13 : memref<!tpu.dma_semaphore, #tpu.memory_space<semaphore_mem>>) src(%dma_wait3A_245 : memref<10240xf32, #tpu.memory_space<vmem_shared>>) dst(%dma_wait3A_242 : memref<2000xf32, #tpu.memory_space<vmem>>)
      %dma_wait3A_246 = tpu.memref_slice %arg7[%mul3A_188] : memref<20000xf32, #tpu.memory_space<vmem>> -> memref<2000xf32, #tpu.memory_space<vmem>>
      %dma_wait3A_247 = tpu.memref_slice %arg4[%mul3A_182] : memref<20000xi32, #tpu.memory_space<vmem>> -> memref<2000xi32, #tpu.memory_space<vmem>>
      %dma_wait3A_248 = arith.constant 0 : i32
      %dma_wait3A_249 = tpu.memref_slice %arg12[%dma_wait3A_248] : memref<10240xf32, #tpu.memory_space<vmem_shared>> -> memref<10240xf32, #tpu.memory_space<vmem_shared>>
      tpu.wait_indirect_dma semaphore(%arg13 : memref<!tpu.dma_semaphore, #tpu.memory_space<semaphore_mem>>) src(%dma_wait3A_249 : memref<10240xf32, #tpu.memory_space<vmem_shared>>) dst(%dma_wait3A_246 : memref<2000xf32, #tpu.memory_space<vmem>>)
      %dma_wait3A_250 = tpu.memref_slice %arg7[%mul3A_204] : memref<20000xf32, #tpu.memory_space<vmem>> -> memref<2000xf32, #tpu.memory_space<vmem>>
      %dma_wait3A_251 = tpu.memref_slice %arg4[%mul3A_198] : memref<20000xi32, #tpu.memory_space<vmem>> -> memref<2000xi32, #tpu.memory_space<vmem>>
      %dma_wait3A_252 = arith.constant 0 : i32
      %dma_wait3A_253 = tpu.memref_slice %arg12[%dma_wait3A_252] : memref<10240xf32, #tpu.memory_space<vmem_shared>> -> memref<10240xf32, #tpu.memory_space<vmem_shared>>
      tpu.wait_indirect_dma semaphore(%arg13 : memref<!tpu.dma_semaphore, #tpu.memory_space<semaphore_mem>>) src(%dma_wait3A_253 : memref<10240xf32, #tpu.memory_space<vmem_shared>>) dst(%dma_wait3A_250 : memref<2000xf32, #tpu.memory_space<vmem>>)
      %dma_wait3A_254 = tpu.memref_slice %arg7[%mul3A_220] : memref<20000xf32, #tpu.memory_space<vmem>> -> memref<2000xf32, #tpu.memory_space<vmem>>
      %dma_wait3A_255 = tpu.memref_slice %arg4[%mul3A_214] : memref<20000xi32, #tpu.memory_space<vmem>> -> memref<2000xi32, #tpu.memory_space<vmem>>
      %dma_wait3A_256 = arith.constant 0 : i32
      %dma_wait3A_257 = tpu.memref_slice %arg12[%dma_wait3A_256] : memref<10240xf32, #tpu.memory_space<vmem_shared>> -> memref<10240xf32, #tpu.memory_space<vmem_shared>>
      tpu.wait_indirect_dma semaphore(%arg13 : memref<!tpu.dma_semaphore, #tpu.memory_space<semaphore_mem>>) src(%dma_wait3A_257 : memref<10240xf32, #tpu.memory_space<vmem_shared>>) dst(%dma_wait3A_254 : memref<2000xf32, #tpu.memory_space<vmem>>)
      %dma_wait3A_258 = tpu.memref_slice %arg7[%mul3A_236] : memref<20000xf32, #tpu.memory_space<vmem>> -> memref<2000xf32, #tpu.memory_space<vmem>>
      %dma_wait3A_259 = tpu.memref_slice %arg4[%mul3A_230] : memref<20000xi32, #tpu.memory_space<vmem>> -> memref<2000xi32, #tpu.memory_space<vmem>>
      %dma_wait3A_260 = arith.constant 0 : i32
      %dma_wait3A_261 = tpu.memref_slice %arg12[%dma_wait3A_260] : memref<10240xf32, #tpu.memory_space<vmem_shared>> -> memref<10240xf32, #tpu.memory_space<vmem_shared>>
      tpu.wait_indirect_dma semaphore(%arg13 : memref<!tpu.dma_semaphore, #tpu.memory_space<semaphore_mem>>) src(%dma_wait3A_261 : memref<10240xf32, #tpu.memory_space<vmem_shared>>) dst(%dma_wait3A_258 : memref<2000xf32, #tpu.memory_space<vmem>>)
      %mul3A_262 = arith.constant 5 : i32
      %mul3A_263 = arith.muli %while3A_160, %mul3A_262 : i32
      %add3A_264 = arith.constant 0 : i32
      %add3A_265 = arith.addi %mul3A_263, %add3A_264 : i32
      %mul3A_266 = arith.constant 2000 : i32
      %mul3A_267 = arith.muli %add3A_265, %mul3A_266 : i32
      %dma_start3A_268 = tpu.memref_slice %arg7[%mul3A_267] : memref<20000xf32, #tpu.memory_space<vmem>> -> memref<2000xf32, #tpu.memory_space<vmem>>
      %dma_start3A_269 = tpu.memref_slice %arg5[%mul3A_267] : memref<20000xi32, #tpu.memory_space<vmem>> -> memref<2000xi32, #tpu.memory_space<vmem>>
      %dma_start3A_270 = arith.constant 0 : i32
      %dma_start3A_271 = tpu.memref_slice %arg11[%dma_start3A_270] : memref<10240xf32, #tpu.memory_space<vmem_shared>> -> memref<10240xf32, #tpu.memory_space<vmem_shared>>
      tpu.enqueue_indirect_dma source(%dma_start3A_268 : memref<2000xf32, #tpu.memory_space<vmem>>) target(%dma_start3A_271 : memref<10240xf32, #tpu.memory_space<vmem_shared>>) offsets(%dma_start3A_269 : memref<2000xi32, #tpu.memory_space<vmem>>) semaphore(%arg14 : memref<!tpu.dma_semaphore, #tpu.memory_space<semaphore_mem>>) {add = true}
      %mul3A_272 = arith.constant 5 : i32
      %mul3A_273 = arith.muli %while3A_160, %mul3A_272 : i32
      %add3A_274 = arith.constant 1 : i32
      %add3A_275 = arith.addi %mul3A_273, %add3A_274 : i32
      %mul3A_276 = arith.constant 2000 : i32
      %mul3A_277 = arith.muli %add3A_275, %mul3A_276 : i32
      %dma_start3A_278 = tpu.memref_slice %arg7[%mul3A_277] : memref<20000xf32, #tpu.memory_space<vmem>> -> memref<2000xf32, #tpu.memory_space<vmem>>
      %dma_start3A_279 = tpu.memref_slice %arg5[%mul3A_277] : memref<20000xi32, #tpu.memory_space<vmem>> -> memref<2000xi32, #tpu.memory_space<vmem>>
      %dma_start3A_280 = arith.constant 0 : i32
      %dma_start3A_281 = tpu.memref_slice %arg11[%dma_start3A_280] : memref<10240xf32, #tpu.memory_space<vmem_shared>> -> memref<10240xf32, #tpu.memory_space<vmem_shared>>
      tpu.enqueue_indirect_dma source(%dma_start3A_278 : memref<2000xf32, #tpu.memory_space<vmem>>) target(%dma_start3A_281 : memref<10240xf32, #tpu.memory_space<vmem_shared>>) offsets(%dma_start3A_279 : memref<2000xi32, #tpu.memory_space<vmem>>) semaphore(%arg14 : memref<!tpu.dma_semaphore, #tpu.memory_space<semaphore_mem>>) {add = true}
      %mul3A_282 = arith.constant 5 : i32
      %mul3A_283 = arith.muli %while3A_160, %mul3A_282 : i32
      %add3A_284 = arith.constant 2 : i32
      %add3A_285 = arith.addi %mul3A_283, %add3A_284 : i32
      %mul3A_286 = arith.constant 2000 : i32
      %mul3A_287 = arith.muli %add3A_285, %mul3A_286 : i32
      %dma_start3A_288 = tpu.memref_slice %arg7[%mul3A_287] : memref<20000xf32, #tpu.memory_space<vmem>> -> memref<2000xf32, #tpu.memory_space<vmem>>
      %dma_start3A_289 = tpu.memref_slice %arg5[%mul3A_287] : memref<20000xi32, #tpu.memory_space<vmem>> -> memref<2000xi32, #tpu.memory_space<vmem>>
      %dma_start3A_290 = arith.constant 0 : i32
      %dma_start3A_291 = tpu.memref_slice %arg11[%dma_start3A_290] : memref<10240xf32, #tpu.memory_space<vmem_shared>> -> memref<10240xf32, #tpu.memory_space<vmem_shared>>
      tpu.enqueue_indirect_dma source(%dma_start3A_288 : memref<2000xf32, #tpu.memory_space<vmem>>) target(%dma_start3A_291 : memref<10240xf32, #tpu.memory_space<vmem_shared>>) offsets(%dma_start3A_289 : memref<2000xi32, #tpu.memory_space<vmem>>) semaphore(%arg14 : memref<!tpu.dma_semaphore, #tpu.memory_space<semaphore_mem>>) {add = true}
      %mul3A_292 = arith.constant 5 : i32
      %mul3A_293 = arith.muli %while3A_160, %mul3A_292 : i32
      %add3A_294 = arith.constant 3 : i32
      %add3A_295 = arith.addi %mul3A_293, %add3A_294 : i32
      %mul3A_296 = arith.constant 2000 : i32
      %mul3A_297 = arith.muli %add3A_295, %mul3A_296 : i32
      %dma_start3A_298 = tpu.memref_slice %arg7[%mul3A_297] : memref<20000xf32, #tpu.memory_space<vmem>> -> memref<2000xf32, #tpu.memory_space<vmem>>
      %dma_start3A_299 = tpu.memref_slice %arg5[%mul3A_297] : memref<20000xi32, #tpu.memory_space<vmem>> -> memref<2000xi32, #tpu.memory_space<vmem>>
      %dma_start3A_300 = arith.constant 0 : i32
      %dma_start3A_301 = tpu.memref_slice %arg11[%dma_start3A_300] : memref<10240xf32, #tpu.memory_space<vmem_shared>> -> memref<10240xf32, #tpu.memory_space<vmem_shared>>
      tpu.enqueue_indirect_dma source(%dma_start3A_298 : memref<2000xf32, #tpu.memory_space<vmem>>) target(%dma_start3A_301 : memref<10240xf32, #tpu.memory_space<vmem_shared>>) offsets(%dma_start3A_299 : memref<2000xi32, #tpu.memory_space<vmem>>) semaphore(%arg14 : memref<!tpu.dma_semaphore, #tpu.memory_space<semaphore_mem>>) {add = true}
      %mul3A_302 = arith.constant 5 : i32
      %mul3A_303 = arith.muli %while3A_160, %mul3A_302 : i32
      %add3A_304 = arith.constant 4 : i32
      %add3A_305 = arith.addi %mul3A_303, %add3A_304 : i32
      %mul3A_306 = arith.constant 2000 : i32
      %mul3A_307 = arith.muli %add3A_305, %mul3A_306 : i32
      %dma_start3A_308 = tpu.memref_slice %arg7[%mul3A_307] : memref<20000xf32, #tpu.memory_space<vmem>> -> memref<2000xf32, #tpu.memory_space<vmem>>
      %dma_start3A_309 = tpu.memref_slice %arg5[%mul3A_307] : memref<20000xi32, #tpu.memory_space<vmem>> -> memref<2000xi32, #tpu.memory_space<vmem>>
      %dma_start3A_310 = arith.constant 0 : i32
      %dma_start3A_311 = tpu.memref_slice %arg11[%dma_start3A_310] : memref<10240xf32, #tpu.memory_space<vmem_shared>> -> memref<10240xf32, #tpu.memory_space<vmem_shared>>
      tpu.enqueue_indirect_dma source(%dma_start3A_308 : memref<2000xf32, #tpu.memory_space<vmem>>) target(%dma_start3A_311 : memref<10240xf32, #tpu.memory_space<vmem_shared>>) offsets(%dma_start3A_309 : memref<2000xi32, #tpu.memory_space<vmem>>) semaphore(%arg14 : memref<!tpu.dma_semaphore, #tpu.memory_space<semaphore_mem>>) {add = true}
    }
    %while3A_94 = arith.constant 1 : i32
    scf.for %while3A_160 = %while3A_92 to %while3A_88 step %while3A_94  : i32 {
      %mul3A_161 = arith.constant 5 : i32
      %mul3A_162 = arith.muli %while3A_160, %mul3A_161 : i32
      %add3A_163 = arith.constant 0 : i32
      %add3A_164 = arith.addi %mul3A_162, %add3A_163 : i32
      %mul3A_165 = arith.constant 2000 : i32
      %mul3A_166 = arith.muli %add3A_164, %mul3A_165 : i32
      %mul3A_167 = arith.constant 5 : i32
      %mul3A_168 = arith.muli %while3A_160, %mul3A_167 : i32
      %add3A_169 = arith.constant 0 : i32
      %add3A_170 = arith.addi %mul3A_168, %add3A_169 : i32
      %mul3A_171 = arith.constant 2000 : i32
      %mul3A_172 = arith.muli %add3A_170, %mul3A_171 : i32
      %dma_start3A_173 = tpu.memref_slice %arg7[%mul3A_172] : memref<20000xf32, #tpu.memory_space<vmem>> -> memref<2000xf32, #tpu.memory_space<vmem>>
      %dma_start3A_174 = tpu.memref_slice %arg4[%mul3A_166] : memref<20000xi32, #tpu.memory_space<vmem>> -> memref<2000xi32, #tpu.memory_space<vmem>>
      %dma_start3A_175 = arith.constant 0 : i32
      %dma_start3A_176 = tpu.memref_slice %arg12[%dma_start3A_175] : memref<10240xf32, #tpu.memory_space<vmem_shared>> -> memref<10240xf32, #tpu.memory_space<vmem_shared>>
      tpu.enqueue_indirect_dma source(%dma_start3A_176 : memref<10240xf32, #tpu.memory_space<vmem_shared>>) target(%dma_start3A_173 : memref<2000xf32, #tpu.memory_space<vmem>>) offsets(%dma_start3A_174 : memref<2000xi32, #tpu.memory_space<vmem>>) semaphore(%arg13 : memref<!tpu.dma_semaphore, #tpu.memory_space<semaphore_mem>>)
      %mul3A_177 = arith.constant 5 : i32
      %mul3A_178 = arith.muli %while3A_160, %mul3A_177 : i32
      %add3A_179 = arith.constant 1 : i32
      %add3A_180 = arith.addi %mul3A_178, %add3A_179 : i32
      %mul3A_181 = arith.constant 2000 : i32
      %mul3A_182 = arith.muli %add3A_180, %mul3A_181 : i32
      %mul3A_183 = arith.constant 5 : i32
      %mul3A_184 = arith.muli %while3A_160, %mul3A_183 : i32
      %add3A_185 = arith.constant 1 : i32
      %add3A_186 = arith.addi %mul3A_184, %add3A_185 : i32
      %mul3A_187 = arith.constant 2000 : i32
      %mul3A_188 = arith.muli %add3A_186, %mul3A_187 : i32
      %dma_start3A_189 = tpu.memref_slice %arg7[%mul3A_188] : memref<20000xf32, #tpu.memory_space<vmem>> -> memref<2000xf32, #tpu.memory_space<vmem>>
      %dma_start3A_190 = tpu.memref_slice %arg4[%mul3A_182] : memref<20000xi32, #tpu.memory_space<vmem>> -> memref<2000xi32, #tpu.memory_space<vmem>>
      %dma_start3A_191 = arith.constant 0 : i32
      %dma_start3A_192 = tpu.memref_slice %arg12[%dma_start3A_191] : memref<10240xf32, #tpu.memory_space<vmem_shared>> -> memref<10240xf32, #tpu.memory_space<vmem_shared>>
      tpu.enqueue_indirect_dma source(%dma_start3A_192 : memref<10240xf32, #tpu.memory_space<vmem_shared>>) target(%dma_start3A_189 : memref<2000xf32, #tpu.memory_space<vmem>>) offsets(%dma_start3A_190 : memref<2000xi32, #tpu.memory_space<vmem>>) semaphore(%arg13 : memref<!tpu.dma_semaphore, #tpu.memory_space<semaphore_mem>>)
      %mul3A_193 = arith.constant 5 : i32
      %mul3A_194 = arith.muli %while3A_160, %mul3A_193 : i32
      %add3A_195 = arith.constant 2 : i32
      %add3A_196 = arith.addi %mul3A_194, %add3A_195 : i32
      %mul3A_197 = arith.constant 2000 : i32
      %mul3A_198 = arith.muli %add3A_196, %mul3A_197 : i32
      %mul3A_199 = arith.constant 5 : i32
      %mul3A_200 = arith.muli %while3A_160, %mul3A_199 : i32
      %add3A_201 = arith.constant 2 : i32
      %add3A_202 = arith.addi %mul3A_200, %add3A_201 : i32
      %mul3A_203 = arith.constant 2000 : i32
      %mul3A_204 = arith.muli %add3A_202, %mul3A_203 : i32
      %dma_start3A_205 = tpu.memref_slice %arg7[%mul3A_204] : memref<20000xf32, #tpu.memory_space<vmem>> -> memref<2000xf32, #tpu.memory_space<vmem>>
      %dma_start3A_206 = tpu.memref_slice %arg4[%mul3A_198] : memref<20000xi32, #tpu.memory_space<vmem>> -> memref<2000xi32, #tpu.memory_space<vmem>>
      %dma_start3A_207 = arith.constant 0 : i32
      %dma_start3A_208 = tpu.memref_slice %arg12[%dma_start3A_207] : memref<10240xf32, #tpu.memory_space<vmem_shared>> -> memref<10240xf32, #tpu.memory_space<vmem_shared>>
      tpu.enqueue_indirect_dma source(%dma_start3A_208 : memref<10240xf32, #tpu.memory_space<vmem_shared>>) target(%dma_start3A_205 : memref<2000xf32, #tpu.memory_space<vmem>>) offsets(%dma_start3A_206 : memref<2000xi32, #tpu.memory_space<vmem>>) semaphore(%arg13 : memref<!tpu.dma_semaphore, #tpu.memory_space<semaphore_mem>>)
      %mul3A_209 = arith.constant 5 : i32
      %mul3A_210 = arith.muli %while3A_160, %mul3A_209 : i32
      %add3A_211 = arith.constant 3 : i32
      %add3A_212 = arith.addi %mul3A_210, %add3A_211 : i32
      %mul3A_213 = arith.constant 2000 : i32
      %mul3A_214 = arith.muli %add3A_212, %mul3A_213 : i32
      %mul3A_215 = arith.constant 5 : i32
      %mul3A_216 = arith.muli %while3A_160, %mul3A_215 : i32
      %add3A_217 = arith.constant 3 : i32
      %add3A_218 = arith.addi %mul3A_216, %add3A_217 : i32
      %mul3A_219 = arith.constant 2000 : i32
      %mul3A_220 = arith.muli %add3A_218, %mul3A_219 : i32
      %dma_start3A_221 = tpu.memref_slice %arg7[%mul3A_220] : memref<20000xf32, #tpu.memory_space<vmem>> -> memref<2000xf32, #tpu.memory_space<vmem>>
      %dma_start3A_222 = tpu.memref_slice %arg4[%mul3A_214] : memref<20000xi32, #tpu.memory_space<vmem>> -> memref<2000xi32, #tpu.memory_space<vmem>>
      %dma_start3A_223 = arith.constant 0 : i32
      %dma_start3A_224 = tpu.memref_slice %arg12[%dma_start3A_223] : memref<10240xf32, #tpu.memory_space<vmem_shared>> -> memref<10240xf32, #tpu.memory_space<vmem_shared>>
      tpu.enqueue_indirect_dma source(%dma_start3A_224 : memref<10240xf32, #tpu.memory_space<vmem_shared>>) target(%dma_start3A_221 : memref<2000xf32, #tpu.memory_space<vmem>>) offsets(%dma_start3A_222 : memref<2000xi32, #tpu.memory_space<vmem>>) semaphore(%arg13 : memref<!tpu.dma_semaphore, #tpu.memory_space<semaphore_mem>>)
      %mul3A_225 = arith.constant 5 : i32
      %mul3A_226 = arith.muli %while3A_160, %mul3A_225 : i32
      %add3A_227 = arith.constant 4 : i32
      %add3A_228 = arith.addi %mul3A_226, %add3A_227 : i32
      %mul3A_229 = arith.constant 2000 : i32
      %mul3A_230 = arith.muli %add3A_228, %mul3A_229 : i32
      %mul3A_231 = arith.constant 5 : i32
      %mul3A_232 = arith.muli %while3A_160, %mul3A_231 : i32
      %add3A_233 = arith.constant 4 : i32
      %add3A_234 = arith.addi %mul3A_232, %add3A_233 : i32
      %mul3A_235 = arith.constant 2000 : i32
      %mul3A_236 = arith.muli %add3A_234, %mul3A_235 : i32
      %dma_start3A_237 = tpu.memref_slice %arg7[%mul3A_236] : memref<20000xf32, #tpu.memory_space<vmem>> -> memref<2000xf32, #tpu.memory_space<vmem>>
      %dma_start3A_238 = tpu.memref_slice %arg4[%mul3A_230] : memref<20000xi32, #tpu.memory_space<vmem>> -> memref<2000xi32, #tpu.memory_space<vmem>>
      %dma_start3A_239 = arith.constant 0 : i32
      %dma_start3A_240 = tpu.memref_slice %arg12[%dma_start3A_239] : memref<10240xf32, #tpu.memory_space<vmem_shared>> -> memref<10240xf32, #tpu.memory_space<vmem_shared>>
      tpu.enqueue_indirect_dma source(%dma_start3A_240 : memref<10240xf32, #tpu.memory_space<vmem_shared>>) target(%dma_start3A_237 : memref<2000xf32, #tpu.memory_space<vmem>>) offsets(%dma_start3A_238 : memref<2000xi32, #tpu.memory_space<vmem>>) semaphore(%arg13 : memref<!tpu.dma_semaphore, #tpu.memory_space<semaphore_mem>>)
      %gt3A = arith.cmpi sgt, %while3A_160, %select_n3A : i32
      %convert_element_type3A = arith.extui %gt3A : i1 to i32
      %cond3A = arith.constant 0 : i32
      %cond3A_241 = arith.cmpi ne, %convert_element_type3A, %cond3A : i32
      scf.if %cond3A_241 {
        %sub3A_312 = arith.constant 1 : i32
        %sub3A_313 = arith.subi %while3A_160, %sub3A_312 : i32
        %mul3A_314 = arith.constant 5 : i32
        %mul3A_315 = arith.muli %sub3A_313, %mul3A_314 : i32
        %add3A_316 = arith.constant 0 : i32
        %add3A_317 = arith.addi %mul3A_315, %add3A_316 : i32
        %mul3A_318 = arith.constant 2000 : i32
        %mul3A_319 = arith.muli %add3A_317, %mul3A_318 : i32
        %dma_wait3A_320 = tpu.memref_slice %arg7[%mul3A_319] : memref<20000xf32, #tpu.memory_space<vmem>> -> memref<2000xf32, #tpu.memory_space<vmem>>
        %dma_wait3A_321 = tpu.memref_slice %arg5[%mul3A_319] : memref<20000xi32, #tpu.memory_space<vmem>> -> memref<2000xi32, #tpu.memory_space<vmem>>
        %dma_wait3A_322 = arith.constant 0 : i32
        %dma_wait3A_323 = tpu.memref_slice %arg11[%dma_wait3A_322] : memref<10240xf32, #tpu.memory_space<vmem_shared>> -> memref<10240xf32, #tpu.memory_space<vmem_shared>>
        tpu.wait_indirect_dma semaphore(%arg14 : memref<!tpu.dma_semaphore, #tpu.memory_space<semaphore_mem>>) src(%dma_wait3A_320 : memref<2000xf32, #tpu.memory_space<vmem>>) dst(%dma_wait3A_323 : memref<10240xf32, #tpu.memory_space<vmem_shared>>)
        %mul3A_324 = arith.constant 5 : i32
        %mul3A_325 = arith.muli %sub3A_313, %mul3A_324 : i32
        %add3A_326 = arith.constant 1 : i32
        %add3A_327 = arith.addi %mul3A_325, %add3A_326 : i32
        %mul3A_328 = arith.constant 2000 : i32
        %mul3A_329 = arith.muli %add3A_327, %mul3A_328 : i32
        %dma_wait3A_330 = tpu.memref_slice %arg7[%mul3A_329] : memref<20000xf32, #tpu.memory_space<vmem>> -> memref<2000xf32, #tpu.memory_space<vmem>>
        %dma_wait3A_331 = tpu.memref_slice %arg5[%mul3A_329] : memref<20000xi32, #tpu.memory_space<vmem>> -> memref<2000xi32, #tpu.memory_space<vmem>>
        %dma_wait3A_332 = arith.constant 0 : i32
        %dma_wait3A_333 = tpu.memref_slice %arg11[%dma_wait3A_332] : memref<10240xf32, #tpu.memory_space<vmem_shared>> -> memref<10240xf32, #tpu.memory_space<vmem_shared>>
        tpu.wait_indirect_dma semaphore(%arg14 : memref<!tpu.dma_semaphore, #tpu.memory_space<semaphore_mem>>) src(%dma_wait3A_330 : memref<2000xf32, #tpu.memory_space<vmem>>) dst(%dma_wait3A_333 : memref<10240xf32, #tpu.memory_space<vmem_shared>>)
        %mul3A_334 = arith.constant 5 : i32
        %mul3A_335 = arith.muli %sub3A_313, %mul3A_334 : i32
        %add3A_336 = arith.constant 2 : i32
        %add3A_337 = arith.addi %mul3A_335, %add3A_336 : i32
        %mul3A_338 = arith.constant 2000 : i32
        %mul3A_339 = arith.muli %add3A_337, %mul3A_338 : i32
        %dma_wait3A_340 = tpu.memref_slice %arg7[%mul3A_339] : memref<20000xf32, #tpu.memory_space<vmem>> -> memref<2000xf32, #tpu.memory_space<vmem>>
        %dma_wait3A_341 = tpu.memref_slice %arg5[%mul3A_339] : memref<20000xi32, #tpu.memory_space<vmem>> -> memref<2000xi32, #tpu.memory_space<vmem>>
        %dma_wait3A_342 = arith.constant 0 : i32
        %dma_wait3A_343 = tpu.memref_slice %arg11[%dma_wait3A_342] : memref<10240xf32, #tpu.memory_space<vmem_shared>> -> memref<10240xf32, #tpu.memory_space<vmem_shared>>
        tpu.wait_indirect_dma semaphore(%arg14 : memref<!tpu.dma_semaphore, #tpu.memory_space<semaphore_mem>>) src(%dma_wait3A_340 : memref<2000xf32, #tpu.memory_space<vmem>>) dst(%dma_wait3A_343 : memref<10240xf32, #tpu.memory_space<vmem_shared>>)
        %mul3A_344 = arith.constant 5 : i32
        %mul3A_345 = arith.muli %sub3A_313, %mul3A_344 : i32
        %add3A_346 = arith.constant 3 : i32
        %add3A_347 = arith.addi %mul3A_345, %add3A_346 : i32
        %mul3A_348 = arith.constant 2000 : i32
        %mul3A_349 = arith.muli %add3A_347, %mul3A_348 : i32
        %dma_wait3A_350 = tpu.memref_slice %arg7[%mul3A_349] : memref<20000xf32, #tpu.memory_space<vmem>> -> memref<2000xf32, #tpu.memory_space<vmem>>
        %dma_wait3A_351 = tpu.memref_slice %arg5[%mul3A_349] : memref<20000xi32, #tpu.memory_space<vmem>> -> memref<2000xi32, #tpu.memory_space<vmem>>
        %dma_wait3A_352 = arith.constant 0 : i32
        %dma_wait3A_353 = tpu.memref_slice %arg11[%dma_wait3A_352] : memref<10240xf32, #tpu.memory_space<vmem_shared>> -> memref<10240xf32, #tpu.memory_space<vmem_shared>>
        tpu.wait_indirect_dma semaphore(%arg14 : memref<!tpu.dma_semaphore, #tpu.memory_space<semaphore_mem>>) src(%dma_wait3A_350 : memref<2000xf32, #tpu.memory_space<vmem>>) dst(%dma_wait3A_353 : memref<10240xf32, #tpu.memory_space<vmem_shared>>)
        %mul3A_354 = arith.constant 5 : i32
        %mul3A_355 = arith.muli %sub3A_313, %mul3A_354 : i32
        %add3A_356 = arith.constant 4 : i32
        %add3A_357 = arith.addi %mul3A_355, %add3A_356 : i32
        %mul3A_358 = arith.constant 2000 : i32
        %mul3A_359 = arith.muli %add3A_357, %mul3A_358 : i32
        %dma_wait3A_360 = tpu.memref_slice %arg7[%mul3A_359] : memref<20000xf32, #tpu.memory_space<vmem>> -> memref<2000xf32, #tpu.memory_space<vmem>>
        %dma_wait3A_361 = tpu.memref_slice %arg5[%mul3A_359] : memref<20000xi32, #tpu.memory_space<vmem>> -> memref<2000xi32, #tpu.memory_space<vmem>>
        %dma_wait3A_362 = arith.constant 0 : i32
        %dma_wait3A_363 = tpu.memref_slice %arg11[%dma_wait3A_362] : memref<10240xf32, #tpu.memory_space<vmem_shared>> -> memref<10240xf32, #tpu.memory_space<vmem_shared>>
        tpu.wait_indirect_dma semaphore(%arg14 : memref<!tpu.dma_semaphore, #tpu.memory_space<semaphore_mem>>) src(%dma_wait3A_360 : memref<2000xf32, #tpu.memory_space<vmem>>) dst(%dma_wait3A_363 : memref<10240xf32, #tpu.memory_space<vmem_shared>>)
      } else {
      }
      %dma_wait3A_242 = tpu.memref_slice %arg7[%mul3A_172] : memref<20000xf32, #tpu.memory_space<vmem>> -> memref<2000xf32, #tpu.memory_space<vmem>>
      %dma_wait3A_243 = tpu.memref_slice %arg4[%mul3A_166] : memref<20000xi32, #tpu.memory_space<vmem>> -> memref<2000xi32, #tpu.memory_space<vmem>>
      %dma_wait3A_244 = arith.constant 0 : i32
      %dma_wait3A_245 = tpu.memref_slice %arg12[%dma_wait3A_244] : memref<10240xf32, #tpu.memory_space<vmem_shared>> -> memref<10240xf32, #tpu.memory_space<vmem_shared>>
      tpu.wait_indirect_dma semaphore(%arg13 : memref<!tpu.dma_semaphore, #tpu.memory_space<semaphore_mem>>) src(%dma_wait3A_245 : memref<10240xf32, #tpu.memory_space<vmem_shared>>) dst(%dma_wait3A_242 : memref<2000xf32, #tpu.memory_space<vmem>>)
      %dma_wait3A_246 = tpu.memref_slice %arg7[%mul3A_188] : memref<20000xf32, #tpu.memory_space<vmem>> -> memref<2000xf32, #tpu.memory_space<vmem>>
      %dma_wait3A_247 = tpu.memref_slice %arg4[%mul3A_182] : memref<20000xi32, #tpu.memory_space<vmem>> -> memref<2000xi32, #tpu.memory_space<vmem>>
      %dma_wait3A_248 = arith.constant 0 : i32
      %dma_wait3A_249 = tpu.memref_slice %arg12[%dma_wait3A_248] : memref<10240xf32, #tpu.memory_space<vmem_shared>> -> memref<10240xf32, #tpu.memory_space<vmem_shared>>
      tpu.wait_indirect_dma semaphore(%arg13 : memref<!tpu.dma_semaphore, #tpu.memory_space<semaphore_mem>>) src(%dma_wait3A_249 : memref<10240xf32, #tpu.memory_space<vmem_shared>>) dst(%dma_wait3A_246 : memref<2000xf32, #tpu.memory_space<vmem>>)
      %dma_wait3A_250 = tpu.memref_slice %arg7[%mul3A_204] : memref<20000xf32, #tpu.memory_space<vmem>> -> memref<2000xf32, #tpu.memory_space<vmem>>
      %dma_wait3A_251 = tpu.memref_slice %arg4[%mul3A_198] : memref<20000xi32, #tpu.memory_space<vmem>> -> memref<2000xi32, #tpu.memory_space<vmem>>
      %dma_wait3A_252 = arith.constant 0 : i32
      %dma_wait3A_253 = tpu.memref_slice %arg12[%dma_wait3A_252] : memref<10240xf32, #tpu.memory_space<vmem_shared>> -> memref<10240xf32, #tpu.memory_space<vmem_shared>>
      tpu.wait_indirect_dma semaphore(%arg13 : memref<!tpu.dma_semaphore, #tpu.memory_space<semaphore_mem>>) src(%dma_wait3A_253 : memref<10240xf32, #tpu.memory_space<vmem_shared>>) dst(%dma_wait3A_250 : memref<2000xf32, #tpu.memory_space<vmem>>)
      %dma_wait3A_254 = tpu.memref_slice %arg7[%mul3A_220] : memref<20000xf32, #tpu.memory_space<vmem>> -> memref<2000xf32, #tpu.memory_space<vmem>>
      %dma_wait3A_255 = tpu.memref_slice %arg4[%mul3A_214] : memref<20000xi32, #tpu.memory_space<vmem>> -> memref<2000xi32, #tpu.memory_space<vmem>>
      %dma_wait3A_256 = arith.constant 0 : i32
      %dma_wait3A_257 = tpu.memref_slice %arg12[%dma_wait3A_256] : memref<10240xf32, #tpu.memory_space<vmem_shared>> -> memref<10240xf32, #tpu.memory_space<vmem_shared>>
      tpu.wait_indirect_dma semaphore(%arg13 : memref<!tpu.dma_semaphore, #tpu.memory_space<semaphore_mem>>) src(%dma_wait3A_257 : memref<10240xf32, #tpu.memory_space<vmem_shared>>) dst(%dma_wait3A_254 : memref<2000xf32, #tpu.memory_space<vmem>>)
      %dma_wait3A_258 = tpu.memref_slice %arg7[%mul3A_236] : memref<20000xf32, #tpu.memory_space<vmem>> -> memref<2000xf32, #tpu.memory_space<vmem>>
      %dma_wait3A_259 = tpu.memref_slice %arg4[%mul3A_230] : memref<20000xi32, #tpu.memory_space<vmem>> -> memref<2000xi32, #tpu.memory_space<vmem>>
      %dma_wait3A_260 = arith.constant 0 : i32
      %dma_wait3A_261 = tpu.memref_slice %arg12[%dma_wait3A_260] : memref<10240xf32, #tpu.memory_space<vmem_shared>> -> memref<10240xf32, #tpu.memory_space<vmem_shared>>
      tpu.wait_indirect_dma semaphore(%arg13 : memref<!tpu.dma_semaphore, #tpu.memory_space<semaphore_mem>>) src(%dma_wait3A_261 : memref<10240xf32, #tpu.memory_space<vmem_shared>>) dst(%dma_wait3A_258 : memref<2000xf32, #tpu.memory_space<vmem>>)
      %mul3A_262 = arith.constant 5 : i32
      %mul3A_263 = arith.muli %while3A_160, %mul3A_262 : i32
      %add3A_264 = arith.constant 0 : i32
      %add3A_265 = arith.addi %mul3A_263, %add3A_264 : i32
      %mul3A_266 = arith.constant 2000 : i32
      %mul3A_267 = arith.muli %add3A_265, %mul3A_266 : i32
      %dma_start3A_268 = tpu.memref_slice %arg7[%mul3A_267] : memref<20000xf32, #tpu.memory_space<vmem>> -> memref<2000xf32, #tpu.memory_space<vmem>>
      %dma_start3A_269 = tpu.memref_slice %arg5[%mul3A_267] : memref<20000xi32, #tpu.memory_space<vmem>> -> memref<2000xi32, #tpu.memory_space<vmem>>
      %dma_start3A_270 = arith.constant 0 : i32
      %dma_start3A_271 = tpu.memref_slice %arg11[%dma_start3A_270] : memref<10240xf32, #tpu.memory_space<vmem_shared>> -> memref<10240xf32, #tpu.memory_space<vmem_shared>>
      tpu.enqueue_indirect_dma source(%dma_start3A_268 : memref<2000xf32, #tpu.memory_space<vmem>>) target(%dma_start3A_271 : memref<10240xf32, #tpu.memory_space<vmem_shared>>) offsets(%dma_start3A_269 : memref<2000xi32, #tpu.memory_space<vmem>>) semaphore(%arg14 : memref<!tpu.dma_semaphore, #tpu.memory_space<semaphore_mem>>) {add = true}
      %mul3A_272 = arith.constant 5 : i32
      %mul3A_273 = arith.muli %while3A_160, %mul3A_272 : i32
      %add3A_274 = arith.constant 1 : i32
      %add3A_275 = arith.addi %mul3A_273, %add3A_274 : i32
      %mul3A_276 = arith.constant 2000 : i32
      %mul3A_277 = arith.muli %add3A_275, %mul3A_276 : i32
      %dma_start3A_278 = tpu.memref_slice %arg7[%mul3A_277] : memref<20000xf32, #tpu.memory_space<vmem>> -> memref<2000xf32, #tpu.memory_space<vmem>>
      %dma_start3A_279 = tpu.memref_slice %arg5[%mul3A_277] : memref<20000xi32, #tpu.memory_space<vmem>> -> memref<2000xi32, #tpu.memory_space<vmem>>
      %dma_start3A_280 = arith.constant 0 : i32
      %dma_start3A_281 = tpu.memref_slice %arg11[%dma_start3A_280] : memref<10240xf32, #tpu.memory_space<vmem_shared>> -> memref<10240xf32, #tpu.memory_space<vmem_shared>>
      tpu.enqueue_indirect_dma source(%dma_start3A_278 : memref<2000xf32, #tpu.memory_space<vmem>>) target(%dma_start3A_281 : memref<10240xf32, #tpu.memory_space<vmem_shared>>) offsets(%dma_start3A_279 : memref<2000xi32, #tpu.memory_space<vmem>>) semaphore(%arg14 : memref<!tpu.dma_semaphore, #tpu.memory_space<semaphore_mem>>) {add = true}
      %mul3A_282 = arith.constant 5 : i32
      %mul3A_283 = arith.muli %while3A_160, %mul3A_282 : i32
      %add3A_284 = arith.constant 2 : i32
      %add3A_285 = arith.addi %mul3A_283, %add3A_284 : i32
      %mul3A_286 = arith.constant 2000 : i32
      %mul3A_287 = arith.muli %add3A_285, %mul3A_286 : i32
      %dma_start3A_288 = tpu.memref_slice %arg7[%mul3A_287] : memref<20000xf32, #tpu.memory_space<vmem>> -> memref<2000xf32, #tpu.memory_space<vmem>>
      %dma_start3A_289 = tpu.memref_slice %arg5[%mul3A_287] : memref<20000xi32, #tpu.memory_space<vmem>> -> memref<2000xi32, #tpu.memory_space<vmem>>
      %dma_start3A_290 = arith.constant 0 : i32
      %dma_start3A_291 = tpu.memref_slice %arg11[%dma_start3A_290] : memref<10240xf32, #tpu.memory_space<vmem_shared>> -> memref<10240xf32, #tpu.memory_space<vmem_shared>>
      tpu.enqueue_indirect_dma source(%dma_start3A_288 : memref<2000xf32, #tpu.memory_space<vmem>>) target(%dma_start3A_291 : memref<10240xf32, #tpu.memory_space<vmem_shared>>) offsets(%dma_start3A_289 : memref<2000xi32, #tpu.memory_space<vmem>>) semaphore(%arg14 : memref<!tpu.dma_semaphore, #tpu.memory_space<semaphore_mem>>) {add = true}
      %mul3A_292 = arith.constant 5 : i32
      %mul3A_293 = arith.muli %while3A_160, %mul3A_292 : i32
      %add3A_294 = arith.constant 3 : i32
      %add3A_295 = arith.addi %mul3A_293, %add3A_294 : i32
      %mul3A_296 = arith.constant 2000 : i32
      %mul3A_297 = arith.muli %add3A_295, %mul3A_296 : i32
      %dma_start3A_298 = tpu.memref_slice %arg7[%mul3A_297] : memref<20000xf32, #tpu.memory_space<vmem>> -> memref<2000xf32, #tpu.memory_space<vmem>>
      %dma_start3A_299 = tpu.memref_slice %arg5[%mul3A_297] : memref<20000xi32, #tpu.memory_space<vmem>> -> memref<2000xi32, #tpu.memory_space<vmem>>
      %dma_start3A_300 = arith.constant 0 : i32
      %dma_start3A_301 = tpu.memref_slice %arg11[%dma_start3A_300] : memref<10240xf32, #tpu.memory_space<vmem_shared>> -> memref<10240xf32, #tpu.memory_space<vmem_shared>>
      tpu.enqueue_indirect_dma source(%dma_start3A_298 : memref<2000xf32, #tpu.memory_space<vmem>>) target(%dma_start3A_301 : memref<10240xf32, #tpu.memory_space<vmem_shared>>) offsets(%dma_start3A_299 : memref<2000xi32, #tpu.memory_space<vmem>>) semaphore(%arg14 : memref<!tpu.dma_semaphore, #tpu.memory_space<semaphore_mem>>) {add = true}
      %mul3A_302 = arith.constant 5 : i32
      %mul3A_303 = arith.muli %while3A_160, %mul3A_302 : i32
      %add3A_304 = arith.constant 4 : i32
      %add3A_305 = arith.addi %mul3A_303, %add3A_304 : i32
      %mul3A_306 = arith.constant 2000 : i32
      %mul3A_307 = arith.muli %add3A_305, %mul3A_306 : i32
      %dma_start3A_308 = tpu.memref_slice %arg7[%mul3A_307] : memref<20000xf32, #tpu.memory_space<vmem>> -> memref<2000xf32, #tpu.memory_space<vmem>>
      %dma_start3A_309 = tpu.memref_slice %arg5[%mul3A_307] : memref<20000xi32, #tpu.memory_space<vmem>> -> memref<2000xi32, #tpu.memory_space<vmem>>
      %dma_start3A_310 = arith.constant 0 : i32
      %dma_start3A_311 = tpu.memref_slice %arg11[%dma_start3A_310] : memref<10240xf32, #tpu.memory_space<vmem_shared>> -> memref<10240xf32, #tpu.memory_space<vmem_shared>>
      tpu.enqueue_indirect_dma source(%dma_start3A_308 : memref<2000xf32, #tpu.memory_space<vmem>>) target(%dma_start3A_311 : memref<10240xf32, #tpu.memory_space<vmem_shared>>) offsets(%dma_start3A_309 : memref<2000xi32, #tpu.memory_space<vmem>>) semaphore(%arg14 : memref<!tpu.dma_semaphore, #tpu.memory_space<semaphore_mem>>) {add = true}
    }
    %add3A_95 = arith.constant 1 : i32
    %add3A_96 = arith.addi %select_n3A, %add3A_95 : i32
    %sub3A_97 = arith.constant 1 : i32
    %sub3A_98 = arith.subi %add3A_96, %sub3A_97 : i32
    %mul3A_99 = arith.constant 5 : i32
    %mul3A_100 = arith.muli %sub3A_98, %mul3A_99 : i32
    %add3A_101 = arith.constant 0 : i32
    %add3A_102 = arith.addi %mul3A_100, %add3A_101 : i32
    %mul3A_103 = arith.constant 2000 : i32
    %mul3A_104 = arith.muli %add3A_102, %mul3A_103 : i32
    %dma_wait3A_105 = tpu.memref_slice %arg7[%mul3A_104] : memref<20000xf32, #tpu.memory_space<vmem>> -> memref<2000xf32, #tpu.memory_space<vmem>>
    %dma_wait3A_106 = tpu.memref_slice %arg5[%mul3A_104] : memref<20000xi32, #tpu.memory_space<vmem>> -> memref<2000xi32, #tpu.memory_space<vmem>>
    %dma_wait3A_107 = arith.constant 0 : i32
    %dma_wait3A_108 = tpu.memref_slice %arg11[%dma_wait3A_107] : memref<10240xf32, #tpu.memory_space<vmem_shared>> -> memref<10240xf32, #tpu.memory_space<vmem_shared>>
    tpu.wait_indirect_dma semaphore(%arg14 : memref<!tpu.dma_semaphore, #tpu.memory_space<semaphore_mem>>) src(%dma_wait3A_105 : memref<2000xf32, #tpu.memory_space<vmem>>) dst(%dma_wait3A_108 : memref<10240xf32, #tpu.memory_space<vmem_shared>>)
    %mul3A_109 = arith.constant 5 : i32
    %mul3A_110 = arith.muli %sub3A_98, %mul3A_109 : i32
    %add3A_111 = arith.constant 1 : i32
    %add3A_112 = arith.addi %mul3A_110, %add3A_111 : i32
    %mul3A_113 = arith.constant 2000 : i32
    %mul3A_114 = arith.muli %add3A_112, %mul3A_113 : i32
    %dma_wait3A_115 = tpu.memref_slice %arg7[%mul3A_114] : memref<20000xf32, #tpu.memory_space<vmem>> -> memref<2000xf32, #tpu.memory_space<vmem>>
    %dma_wait3A_116 = tpu.memref_slice %arg5[%mul3A_114] : memref<20000xi32, #tpu.memory_space<vmem>> -> memref<2000xi32, #tpu.memory_space<vmem>>
    %dma_wait3A_117 = arith.constant 0 : i32
    %dma_wait3A_118 = tpu.memref_slice %arg11[%dma_wait3A_117] : memref<10240xf32, #tpu.memory_space<vmem_shared>> -> memref<10240xf32, #tpu.memory_space<vmem_shared>>
    tpu.wait_indirect_dma semaphore(%arg14 : memref<!tpu.dma_semaphore, #tpu.memory_space<semaphore_mem>>) src(%dma_wait3A_115 : memref<2000xf32, #tpu.memory_space<vmem>>) dst(%dma_wait3A_118 : memref<10240xf32, #tpu.memory_space<vmem_shared>>)
    %mul3A_119 = arith.constant 5 : i32
    %mul3A_120 = arith.muli %sub3A_98, %mul3A_119 : i32
    %add3A_121 = arith.constant 2 : i32
    %add3A_122 = arith.addi %mul3A_120, %add3A_121 : i32
    %mul3A_123 = arith.constant 2000 : i32
    %mul3A_124 = arith.muli %add3A_122, %mul3A_123 : i32
    %dma_wait3A_125 = tpu.memref_slice %arg7[%mul3A_124] : memref<20000xf32, #tpu.memory_space<vmem>> -> memref<2000xf32, #tpu.memory_space<vmem>>
    %dma_wait3A_126 = tpu.memref_slice %arg5[%mul3A_124] : memref<20000xi32, #tpu.memory_space<vmem>> -> memref<2000xi32, #tpu.memory_space<vmem>>
    %dma_wait3A_127 = arith.constant 0 : i32
    %dma_wait3A_128 = tpu.memref_slice %arg11[%dma_wait3A_127] : memref<10240xf32, #tpu.memory_space<vmem_shared>> -> memref<10240xf32, #tpu.memory_space<vmem_shared>>
    tpu.wait_indirect_dma semaphore(%arg14 : memref<!tpu.dma_semaphore, #tpu.memory_space<semaphore_mem>>) src(%dma_wait3A_125 : memref<2000xf32, #tpu.memory_space<vmem>>) dst(%dma_wait3A_128 : memref<10240xf32, #tpu.memory_space<vmem_shared>>)
    %mul3A_129 = arith.constant 5 : i32
    %mul3A_130 = arith.muli %sub3A_98, %mul3A_129 : i32
    %add3A_131 = arith.constant 3 : i32
    %add3A_132 = arith.addi %mul3A_130, %add3A_131 : i32
    %mul3A_133 = arith.constant 2000 : i32
    %mul3A_134 = arith.muli %add3A_132, %mul3A_133 : i32
    %dma_wait3A_135 = tpu.memref_slice %arg7[%mul3A_134] : memref<20000xf32, #tpu.memory_space<vmem>> -> memref<2000xf32, #tpu.memory_space<vmem>>
    %dma_wait3A_136 = tpu.memref_slice %arg5[%mul3A_134] : memref<20000xi32, #tpu.memory_space<vmem>> -> memref<2000xi32, #tpu.memory_space<vmem>>
    %dma_wait3A_137 = arith.constant 0 : i32
    %dma_wait3A_138 = tpu.memref_slice %arg11[%dma_wait3A_137] : memref<10240xf32, #tpu.memory_space<vmem_shared>> -> memref<10240xf32, #tpu.memory_space<vmem_shared>>
    tpu.wait_indirect_dma semaphore(%arg14 : memref<!tpu.dma_semaphore, #tpu.memory_space<semaphore_mem>>) src(%dma_wait3A_135 : memref<2000xf32, #tpu.memory_space<vmem>>) dst(%dma_wait3A_138 : memref<10240xf32, #tpu.memory_space<vmem_shared>>)
    %mul3A_139 = arith.constant 5 : i32
    %mul3A_140 = arith.muli %sub3A_98, %mul3A_139 : i32
    %add3A_141 = arith.constant 4 : i32
    %add3A_142 = arith.addi %mul3A_140, %add3A_141 : i32
    %mul3A_143 = arith.constant 2000 : i32
    %mul3A_144 = arith.muli %add3A_142, %mul3A_143 : i32
    %dma_wait3A_145 = tpu.memref_slice %arg7[%mul3A_144] : memref<20000xf32, #tpu.memory_space<vmem>> -> memref<2000xf32, #tpu.memory_space<vmem>>
    %dma_wait3A_146 = tpu.memref_slice %arg5[%mul3A_144] : memref<20000xi32, #tpu.memory_space<vmem>> -> memref<2000xi32, #tpu.memory_space<vmem>>
    %dma_wait3A_147 = arith.constant 0 : i32
    %dma_wait3A_148 = tpu.memref_slice %arg11[%dma_wait3A_147] : memref<10240xf32, #tpu.memory_space<vmem_shared>> -> memref<10240xf32, #tpu.memory_space<vmem_shared>>
    tpu.wait_indirect_dma semaphore(%arg14 : memref<!tpu.dma_semaphore, #tpu.memory_space<semaphore_mem>>) src(%dma_wait3A_145 : memref<2000xf32, #tpu.memory_space<vmem>>) dst(%dma_wait3A_148 : memref<10240xf32, #tpu.memory_space<vmem_shared>>)
    %barrier3A_149 = arith.constant 0 : index
    tpu.barrier barrier_id(%barrier3A_149)
    "tpu.region"() ({
      %run_scoped3A = tpu.sem_alloc : memref<!tpu.dma_semaphore, #tpu.memory_space<semaphore_mem>>
      %dma_start3A_160 = tpu.memref_slice %arg11[%mul3A_22] : memref<10240xf32, #tpu.memory_space<vmem_shared>> -> memref<640xf32, #tpu.memory_space<vmem_shared>>
      %dma_start3A_161 = tpu.memref_slice %arg11[%mul3A_22] : memref<10240xf32, #tpu.memory_space<vmem_shared>> -> memref<640xf32, #tpu.memory_space<vmem_shared>>
      tpu.enqueue_dma source(%dma_start3A_161 : memref<640xf32, #tpu.memory_space<vmem_shared>>) target(%arg8 : memref<640xf32, #tpu.memory_space<vmem>>) target_semaphore(%run_scoped3A : memref<!tpu.dma_semaphore, #tpu.memory_space<semaphore_mem>>)
      %dma_wait3A_162 = tpu.memref_slice %arg11[%mul3A_22] : memref<10240xf32, #tpu.memory_space<vmem_shared>> -> memref<640xf32, #tpu.memory_space<vmem_shared>>
      %dma_wait3A_163 = tpu.memref_slice %arg11[%mul3A_22] : memref<10240xf32, #tpu.memory_space<vmem_shared>> -> memref<640xf32, #tpu.memory_space<vmem_shared>>
      tpu.wait_dma2 semaphore(%run_scoped3A : memref<!tpu.dma_semaphore, #tpu.memory_space<semaphore_mem>>) src(%dma_wait3A_163 : memref<640xf32, #tpu.memory_space<vmem_shared>>) dst(%arg8 : memref<640xf32, #tpu.memory_space<vmem>>)
      tpu.yield
    }) : () -> ()
    %mul3A_150 = arith.constant 10240 : i32
    %mul3A_151 = arith.muli %arg0, %mul3A_150 : i32
    %add3A_152 = arith.addi %mul3A_151, %mul3A_22 : i32
    "tpu.region"() ({
      %run_scoped3A = tpu.sem_alloc : memref<!tpu.dma_semaphore, #tpu.memory_space<semaphore_mem>>
      %dma_start3A_160 = tpu.memref_slice %arg3[%add3A_152] : memref<30720xf32, #tpu.memory_space<hbm>> -> memref<640xf32, #tpu.memory_space<hbm>>
      %dma_start3A_161 = tpu.memref_slice %arg3[%add3A_152] : memref<30720xf32, #tpu.memory_space<hbm>> -> memref<640xf32, #tpu.memory_space<hbm>>
      tpu.enqueue_dma source(%arg8 : memref<640xf32, #tpu.memory_space<vmem>>) target(%dma_start3A_161 : memref<640xf32, #tpu.memory_space<hbm>>) target_semaphore(%run_scoped3A : memref<!tpu.dma_semaphore, #tpu.memory_space<semaphore_mem>>)
      %dma_wait3A_162 = tpu.memref_slice %arg3[%add3A_152] : memref<30720xf32, #tpu.memory_space<hbm>> -> memref<640xf32, #tpu.memory_space<hbm>>
      %dma_wait3A_163 = tpu.memref_slice %arg3[%add3A_152] : memref<30720xf32, #tpu.memory_space<hbm>> -> memref<640xf32, #tpu.memory_space<hbm>>
      tpu.wait_dma2 semaphore(%run_scoped3A : memref<!tpu.dma_semaphore, #tpu.memory_space<semaphore_mem>>) src(%arg8 : memref<640xf32, #tpu.memory_space<vmem>>) dst(%dma_wait3A_163 : memref<640xf32, #tpu.memory_space<hbm>>)
      tpu.yield
    }) : () -> ()
    %mul3A_153 = arith.constant 5120 : i32
    %mul3A_154 = arith.muli %arg0, %mul3A_153 : i32
    %mul3A_155 = arith.constant 320 : i32
    %mul3A_156 = arith.muli %arg1, %mul3A_155 : i32
    %add3A_157 = arith.addi %mul3A_154, %mul3A_156 : i32
    "tpu.region"() ({
      %run_scoped3A = tpu.sem_alloc : memref<!tpu.dma_semaphore, #tpu.memory_space<semaphore_mem>>
      %dma_start3A_160 = arith.constant 0 : i32
      %dma_start3A_161 = tpu.memref_slice %arg9[%dma_start3A_160] : memref<640xf32, #tpu.memory_space<vmem>> -> memref<320xf32, #tpu.memory_space<vmem>>
      %dma_start3A_162 = tpu.memref_slice %arg12[%add3A_157] : memref<10240xf32, #tpu.memory_space<vmem_shared>> -> memref<320xf32, #tpu.memory_space<vmem_shared>>
      %dma_start3A_163 = arith.constant 0 : i32
      %dma_start3A_164 = tpu.memref_slice %arg9[%dma_start3A_163] : memref<640xf32, #tpu.memory_space<vmem>> -> memref<320xf32, #tpu.memory_space<vmem>>
      %dma_start3A_165 = tpu.memref_slice %arg12[%add3A_157] : memref<10240xf32, #tpu.memory_space<vmem_shared>> -> memref<320xf32, #tpu.memory_space<vmem_shared>>
      tpu.enqueue_dma source(%dma_start3A_165 : memref<320xf32, #tpu.memory_space<vmem_shared>>) target(%dma_start3A_164 : memref<320xf32, #tpu.memory_space<vmem>>) target_semaphore(%run_scoped3A : memref<!tpu.dma_semaphore, #tpu.memory_space<semaphore_mem>>)
      %dma_wait3A_166 = arith.constant 0 : i32
      %dma_wait3A_167 = tpu.memref_slice %arg9[%dma_wait3A_166] : memref<640xf32, #tpu.memory_space<vmem>> -> memref<320xf32, #tpu.memory_space<vmem>>
      %dma_wait3A_168 = tpu.memref_slice %arg12[%add3A_157] : memref<10240xf32, #tpu.memory_space<vmem_shared>> -> memref<320xf32, #tpu.memory_space<vmem_shared>>
      %dma_wait3A_169 = arith.constant 0 : i32
      %dma_wait3A_170 = tpu.memref_slice %arg9[%dma_wait3A_169] : memref<640xf32, #tpu.memory_space<vmem>> -> memref<320xf32, #tpu.memory_space<vmem>>
      %dma_wait3A_171 = tpu.memref_slice %arg12[%add3A_157] : memref<10240xf32, #tpu.memory_space<vmem_shared>> -> memref<320xf32, #tpu.memory_space<vmem_shared>>
      tpu.wait_dma2 semaphore(%run_scoped3A : memref<!tpu.dma_semaphore, #tpu.memory_space<semaphore_mem>>) src(%dma_wait3A_171 : memref<320xf32, #tpu.memory_space<vmem_shared>>) dst(%dma_wait3A_170 : memref<320xf32, #tpu.memory_space<vmem>>)
      tpu.yield
    }) : () -> ()
    %add3A_158 = arith.constant 20480 : i32
    %add3A_159 = arith.addi %add3A_158, %add3A_157 : i32
    "tpu.region"() ({
      %run_scoped3A = tpu.sem_alloc : memref<!tpu.dma_semaphore, #tpu.memory_space<semaphore_mem>>
      %dma_start3A_160 = arith.constant 0 : i32
      %dma_start3A_161 = tpu.memref_slice %arg9[%dma_start3A_160] : memref<640xf32, #tpu.memory_space<vmem>> -> memref<320xf32, #tpu.memory_space<vmem>>
      %dma_start3A_162 = tpu.memref_slice %arg3[%add3A_159] : memref<30720xf32, #tpu.memory_space<hbm>> -> memref<320xf32, #tpu.memory_space<hbm>>
      %dma_start3A_163 = tpu.memref_slice %arg3[%add3A_159] : memref<30720xf32, #tpu.memory_space<hbm>> -> memref<320xf32, #tpu.memory_space<hbm>>
      %dma_start3A_164 = arith.constant 0 : i32
      %dma_start3A_165 = tpu.memref_slice %arg9[%dma_start3A_164] : memref<640xf32, #tpu.memory_space<vmem>> -> memref<320xf32, #tpu.memory_space<vmem>>
      tpu.enqueue_dma source(%dma_start3A_165 : memref<320xf32, #tpu.memory_space<vmem>>) target(%dma_start3A_163 : memref<320xf32, #tpu.memory_space<hbm>>) target_semaphore(%run_scoped3A : memref<!tpu.dma_semaphore, #tpu.memory_space<semaphore_mem>>)
      %dma_wait3A_166 = arith.constant 0 : i32
      %dma_wait3A_167 = tpu.memref_slice %arg9[%dma_wait3A_166] : memref<640xf32, #tpu.memory_space<vmem>> -> memref<320xf32, #tpu.memory_space<vmem>>
      %dma_wait3A_168 = tpu.memref_slice %arg3[%add3A_159] : memref<30720xf32, #tpu.memory_space<hbm>> -> memref<320xf32, #tpu.memory_space<hbm>>
      %dma_wait3A_169 = tpu.memref_slice %arg3[%add3A_159] : memref<30720xf32, #tpu.memory_space<hbm>> -> memref<320xf32, #tpu.memory_space<hbm>>
      %dma_wait3A_170 = arith.constant 0 : i32
      %dma_wait3A_171 = tpu.memref_slice %arg9[%dma_wait3A_170] : memref<640xf32, #tpu.memory_space<vmem>> -> memref<320xf32, #tpu.memory_space<vmem>>
      tpu.wait_dma2 semaphore(%run_scoped3A : memref<!tpu.dma_semaphore, #tpu.memory_space<semaphore_mem>>) src(%dma_wait3A_171 : memref<320xf32, #tpu.memory_space<vmem>>) dst(%dma_wait3A_169 : memref<320xf32, #tpu.memory_space<hbm>>)
      tpu.yield
    }) : () -> ()
    return
  }
}

module attributes {stable_mosaic.version = 14 : i64} {
  func.func @_dense_body(%arg0: i32, %arg1: memref<5000x128xf32, #tpu.memory_space<vmem>>, %arg2: memref<5000x1xf32, #tpu.memory_space<vmem>>, %arg3: memref<128x128xf32, #tpu.memory_space<vmem>>, %arg4: memref<1x128xf32, #tpu.memory_space<vmem>>, %arg5: memref<128x40xf32, #tpu.memory_space<vmem>>, %arg6: memref<1x40xf32, #tpu.memory_space<vmem>>, %arg7: memref<4x128xf32, #tpu.memory_space<vmem>>, %arg8: memref<4x128xf32, #tpu.memory_space<vmem>>, %arg9: memref<4x128x130xf32, #tpu.memory_space<vmem>>, %arg10: memref<4x128xf32, #tpu.memory_space<vmem>>, %arg11: memref<5000x40xf32, #tpu.memory_space<vmem>>) attributes {dimension_semantics = [#tpu.dimension_semantics<arbitrary>], iteration_bounds = array<i64: 2>, scalar_prefetch = 0 : i64, scratch_operands = 0 : i64, tpu.core_type = #tpu.core_type<tc>, window_params = [{transform_indices = @transform_0, window_bounds = array<i64: 5000, 128>}, {transform_indices = @transform_1, window_bounds = array<i64: 5000, 1>}, {pipeline_mode = #tpu.pipeline_mode<synchronous>, transform_indices = @transform_2, window_bounds = array<i64: 128, 128>}, {pipeline_mode = #tpu.pipeline_mode<synchronous>, transform_indices = @transform_3, window_bounds = array<i64: 1, 128>}, {pipeline_mode = #tpu.pipeline_mode<synchronous>, transform_indices = @transform_4, window_bounds = array<i64: 128, 40>}, {pipeline_mode = #tpu.pipeline_mode<synchronous>, transform_indices = @transform_5, window_bounds = array<i64: 1, 40>}, {pipeline_mode = #tpu.pipeline_mode<synchronous>, transform_indices = @transform_6, window_bounds = array<i64: 4, 128>}, {pipeline_mode = #tpu.pipeline_mode<synchronous>, transform_indices = @transform_7, window_bounds = array<i64: 4, 128>}, {pipeline_mode = #tpu.pipeline_mode<synchronous>, transform_indices = @transform_8, window_bounds = array<i64: 4, 128, 130>}, {pipeline_mode = #tpu.pipeline_mode<synchronous>, transform_indices = @transform_9, window_bounds = array<i64: 4, 128>}, {transform_indices = @transform_10, window_bounds = array<i64: 5000, 40>}]} {
    %get3A = arith.constant 0 : index
    %get3A_0 = arith.constant 0 : index
    %get3A_1 = vector.load %arg1[%get3A, %get3A_0] : memref<5000x128xf32, #tpu.memory_space<vmem>>, vector<5000x128xf32>
    %get3A_2 = arith.constant 0 : index
    %get3A_3 = arith.constant 0 : index
    %get3A_4 = vector.load %arg2[%get3A_2, %get3A_3] : memref<5000x1xf32, #tpu.memory_space<vmem>>, vector<5000x1xf32>
    %get3A_5 = arith.constant 0 : index
    %get3A_6 = arith.constant 0 : index
    %get3A_7 = vector.load %arg3[%get3A_5, %get3A_6] : memref<128x128xf32, #tpu.memory_space<vmem>>, vector<128x128xf32>
    %dot_general3A = arith.constant dense<0.000000e+00> : vector<5000x128xf32>
    %dot_general3A_8 = tpu.matmul %get3A_1, %get3A_7, %dot_general3A {dimension_numbers = #tpu.dot_dimension_numbers<[1], [0], [0], [1], [0, 0, 1, 1], [], []>, transpose_lhs_hint = false} : vector<5000x128xf32>, vector<128x128xf32>, vector<5000x128xf32> -> vector<5000x128xf32>
    %get3A_9 = arith.constant 0 : index
    %get3A_10 = arith.constant 0 : index
    %get3A_11 = vector.load %arg4[%get3A_9, %get3A_10] : memref<1x128xf32, #tpu.memory_space<vmem>>, vector<1x128xf32>
    %add3A = vector.broadcast %get3A_11 : vector<1x128xf32> to vector<5000x128xf32>
    %add3A_12 = arith.addf %dot_general3A_8, %add3A : vector<5000x128xf32>
    %iota3A = tpu.iota {dimensions = array<i32: 0>} : vector<128x128xi32>
    %iota3A_13 = tpu.iota {dimensions = array<i32: 1>} : vector<128x128xi32>
    %get3A_14 = arith.constant 0 : index
    %get3A_15 = arith.constant 0 : index
    %get3A_16 = arith.constant 0 : index
    %get3A_17 = vector.load %arg9[%get3A_14, %get3A_15, %get3A_16] : memref<4x128x130xf32, #tpu.memory_space<vmem>>, vector<1x128x130xf32>
    %get3A_18 = vector.shape_cast %get3A_17 : vector<1x128x130xf32> to vector<128x130xf32>
    %slice3A = vector.extract_strided_slice %get3A_18 {offsets = [0, 0], sizes = [128, 128], strides = [1, 1]} : vector<128x130xf32> to vector<128x128xf32>
    %slice3A_19 = vector.extract_strided_slice %get3A_18 {offsets = [0, 128], sizes = [128, 1], strides = [1, 1]} : vector<128x130xf32> to vector<128x1xf32>
    %slice3A_20 = vector.extract_strided_slice %get3A_18 {offsets = [0, 129], sizes = [128, 1], strides = [1, 1]} : vector<128x130xf32> to vector<128x1xf32>
    %gt3A = arith.cmpi sgt, %iota3A_13, %iota3A : vector<128x128xi32>
    %jit3A = arith.constant 0.000000e+00 : f32
    %broadcast_in_dim3A = vector.broadcast %jit3A : f32 to vector<128x128xf32>
    %select_n3A = arith.select %gt3A, %slice3A, %broadcast_in_dim3A : vector<128x128xi1>, vector<128x128xf32>
    %transpose3A = tpu.transpose %select_n3A, [1, 0] : vector<128x128xf32> -> vector<128x128xf32>
    %add3A_21 = arith.addf %select_n3A, %transpose3A : vector<128x128xf32>
    %abs3A = math.absf %add3A_21 : vector<128x128xf32>
    %reduce_sum3A = arith.constant dense<0.000000e+00> : vector<128xf32>
    %reduce_sum3A_22 = vector.multi_reduction <add>, %abs3A, %reduce_sum3A [1] : vector<128x128xf32> to vector<128xf32>
    %broadcast_in_dim3A_23 = vector.shape_cast %reduce_sum3A_22 : vector<128xf32> to vector<128x1xf32>
    %mul3A = arith.mulf %slice3A_19, %broadcast_in_dim3A_23 : vector<128x1xf32>
    %add3A_24 = arith.addf %mul3A, %slice3A_20 : vector<128x1xf32>
    %eq3A = arith.cmpi eq, %iota3A, %iota3A_13 : vector<128x128xi32>
    %jit3A_25 = arith.constant 0.000000e+00 : f32
    %broadcast_in_dim3A_26 = vector.shape_cast %add3A_24 : vector<128x1xf32> to vector<128x1xf32>
    %broadcast_in_dim3A_27 = vector.broadcast %broadcast_in_dim3A_26 : vector<128x1xf32> to vector<128x128xf32>
    %broadcast_in_dim3A_28 = vector.broadcast %jit3A_25 : f32 to vector<128x128xf32>
    %select_n3A_29 = arith.select %eq3A, %broadcast_in_dim3A_27, %broadcast_in_dim3A_28 : vector<128x128xi1>, vector<128x128xf32>
    %add3A_30 = arith.addf %add3A_21, %select_n3A_29 : vector<128x128xf32>
    %dot_general3A_31 = arith.constant dense<0.000000e+00> : vector<5000x128xf32>
    %dot_general3A_32 = tpu.matmul %add3A_12, %add3A_30, %dot_general3A_31 {dimension_numbers = #tpu.dot_dimension_numbers<[1], [0], [0], [1], [0, 0, 1, 1], [], []>, transpose_lhs_hint = false} : vector<5000x128xf32>, vector<128x128xf32>, vector<5000x128xf32> -> vector<5000x128xf32>
    %get3A_33 = arith.constant 0 : index
    %get3A_34 = arith.constant 0 : index
    %get3A_35 = vector.load %arg10[%get3A_33, %get3A_34] : memref<4x128xf32, #tpu.memory_space<vmem>>, vector<1x128xf32>
    %add3A_36 = vector.broadcast %get3A_35 : vector<1x128xf32> to vector<5000x128xf32>
    %add3A_37 = arith.addf %dot_general3A_32, %add3A_36 : vector<5000x128xf32>
    %mul3A_38 = vector.broadcast %get3A_4 : vector<5000x1xf32> to vector<5000x128xf32>
    %mul3A_39 = arith.mulf %add3A_37, %mul3A_38 : vector<5000x128xf32>
    %get3A_40 = arith.constant 0 : index
    %get3A_41 = arith.constant 0 : index
    %get3A_42 = vector.load %arg7[%get3A_40, %get3A_41] : memref<4x128xf32, #tpu.memory_space<vmem>>, vector<1x128xf32>
    %mul3A_43 = vector.broadcast %get3A_42 : vector<1x128xf32> to vector<5000x128xf32>
    %mul3A_44 = arith.mulf %add3A_12, %mul3A_43 : vector<5000x128xf32>
    %sub3A = arith.subf %mul3A_39, %mul3A_44 : vector<5000x128xf32>
    %get3A_45 = arith.constant 0 : index
    %get3A_46 = arith.constant 0 : index
    %get3A_47 = vector.load %arg8[%get3A_45, %get3A_46] : memref<4x128xf32, #tpu.memory_space<vmem>>, vector<1x128xf32>
    %mul3A_48 = vector.broadcast %get3A_47 : vector<1x128xf32> to vector<5000x128xf32>
    %mul3A_49 = arith.mulf %add3A_12, %mul3A_48 : vector<5000x128xf32>
    %sub3A_50 = arith.subf %sub3A, %mul3A_49 : vector<5000x128xf32>
    %max3A = arith.constant 0.000000e+00 : f32
    %max3A_51 = vector.broadcast %max3A : f32 to vector<5000x128xf32>
    %max3A_52 = arith.maximumf %sub3A_50, %max3A_51 : vector<5000x128xf32>
    %mul3A_53 = arith.constant 1.000000e-01 : f32
    %mul3A_54 = vector.broadcast %mul3A_53 : f32 to vector<5000x128xf32>
    %mul3A_55 = arith.mulf %mul3A_54, %max3A_52 : vector<5000x128xf32>
    %add3A_56 = arith.addf %add3A_12, %mul3A_55 : vector<5000x128xf32>
    %get3A_57 = arith.constant 1 : index
    %get3A_58 = arith.constant 0 : index
    %get3A_59 = arith.constant 0 : index
    %get3A_60 = vector.load %arg9[%get3A_57, %get3A_58, %get3A_59] : memref<4x128x130xf32, #tpu.memory_space<vmem>>, vector<1x128x130xf32>
    %get3A_61 = vector.shape_cast %get3A_60 : vector<1x128x130xf32> to vector<128x130xf32>
    %slice3A_62 = vector.extract_strided_slice %get3A_61 {offsets = [0, 0], sizes = [128, 128], strides = [1, 1]} : vector<128x130xf32> to vector<128x128xf32>
    %slice3A_63 = vector.extract_strided_slice %get3A_61 {offsets = [0, 128], sizes = [128, 1], strides = [1, 1]} : vector<128x130xf32> to vector<128x1xf32>
    %slice3A_64 = vector.extract_strided_slice %get3A_61 {offsets = [0, 129], sizes = [128, 1], strides = [1, 1]} : vector<128x130xf32> to vector<128x1xf32>
    %gt3A_65 = arith.cmpi sgt, %iota3A_13, %iota3A : vector<128x128xi32>
    %jit3A_66 = arith.constant 0.000000e+00 : f32
    %broadcast_in_dim3A_67 = vector.broadcast %jit3A_66 : f32 to vector<128x128xf32>
    %select_n3A_68 = arith.select %gt3A_65, %slice3A_62, %broadcast_in_dim3A_67 : vector<128x128xi1>, vector<128x128xf32>
    %transpose3A_69 = tpu.transpose %select_n3A_68, [1, 0] : vector<128x128xf32> -> vector<128x128xf32>
    %add3A_70 = arith.addf %select_n3A_68, %transpose3A_69 : vector<128x128xf32>
    %abs3A_71 = math.absf %add3A_70 : vector<128x128xf32>
    %reduce_sum3A_72 = arith.constant dense<0.000000e+00> : vector<128xf32>
    %reduce_sum3A_73 = vector.multi_reduction <add>, %abs3A_71, %reduce_sum3A_72 [1] : vector<128x128xf32> to vector<128xf32>
    %broadcast_in_dim3A_74 = vector.shape_cast %reduce_sum3A_73 : vector<128xf32> to vector<128x1xf32>
    %mul3A_75 = arith.mulf %slice3A_63, %broadcast_in_dim3A_74 : vector<128x1xf32>
    %add3A_76 = arith.addf %mul3A_75, %slice3A_64 : vector<128x1xf32>
    %eq3A_77 = arith.cmpi eq, %iota3A, %iota3A_13 : vector<128x128xi32>
    %jit3A_78 = arith.constant 0.000000e+00 : f32
    %broadcast_in_dim3A_79 = vector.shape_cast %add3A_76 : vector<128x1xf32> to vector<128x1xf32>
    %broadcast_in_dim3A_80 = vector.broadcast %broadcast_in_dim3A_79 : vector<128x1xf32> to vector<128x128xf32>
    %broadcast_in_dim3A_81 = vector.broadcast %jit3A_78 : f32 to vector<128x128xf32>
    %select_n3A_82 = arith.select %eq3A_77, %broadcast_in_dim3A_80, %broadcast_in_dim3A_81 : vector<128x128xi1>, vector<128x128xf32>
    %add3A_83 = arith.addf %add3A_70, %select_n3A_82 : vector<128x128xf32>
    %dot_general3A_84 = arith.constant dense<0.000000e+00> : vector<5000x128xf32>
    %dot_general3A_85 = tpu.matmul %add3A_56, %add3A_83, %dot_general3A_84 {dimension_numbers = #tpu.dot_dimension_numbers<[1], [0], [0], [1], [0, 0, 1, 1], [], []>, transpose_lhs_hint = false} : vector<5000x128xf32>, vector<128x128xf32>, vector<5000x128xf32> -> vector<5000x128xf32>
    %get3A_86 = arith.constant 1 : index
    %get3A_87 = arith.constant 0 : index
    %get3A_88 = vector.load %arg10[%get3A_86, %get3A_87] : memref<4x128xf32, #tpu.memory_space<vmem>>, vector<1x128xf32>
    %add3A_89 = vector.broadcast %get3A_88 : vector<1x128xf32> to vector<5000x128xf32>
    %add3A_90 = arith.addf %dot_general3A_85, %add3A_89 : vector<5000x128xf32>
    %mul3A_91 = vector.broadcast %get3A_4 : vector<5000x1xf32> to vector<5000x128xf32>
    %mul3A_92 = arith.mulf %add3A_90, %mul3A_91 : vector<5000x128xf32>
    %get3A_93 = arith.constant 1 : index
    %get3A_94 = arith.constant 0 : index
    %get3A_95 = vector.load %arg7[%get3A_93, %get3A_94] : memref<4x128xf32, #tpu.memory_space<vmem>>, vector<1x128xf32>
    %mul3A_96 = vector.broadcast %get3A_95 : vector<1x128xf32> to vector<5000x128xf32>
    %mul3A_97 = arith.mulf %add3A_56, %mul3A_96 : vector<5000x128xf32>
    %sub3A_98 = arith.subf %mul3A_92, %mul3A_97 : vector<5000x128xf32>
    %get3A_99 = arith.constant 1 : index
    %get3A_100 = arith.constant 0 : index
    %get3A_101 = vector.load %arg8[%get3A_99, %get3A_100] : memref<4x128xf32, #tpu.memory_space<vmem>>, vector<1x128xf32>
    %mul3A_102 = vector.broadcast %get3A_101 : vector<1x128xf32> to vector<5000x128xf32>
    %mul3A_103 = arith.mulf %add3A_12, %mul3A_102 : vector<5000x128xf32>
    %sub3A_104 = arith.subf %sub3A_98, %mul3A_103 : vector<5000x128xf32>
    %max3A_105 = arith.constant 0.000000e+00 : f32
    %max3A_106 = vector.broadcast %max3A_105 : f32 to vector<5000x128xf32>
    %max3A_107 = arith.maximumf %sub3A_104, %max3A_106 : vector<5000x128xf32>
    %mul3A_108 = arith.constant 1.000000e-01 : f32
    %mul3A_109 = vector.broadcast %mul3A_108 : f32 to vector<5000x128xf32>
    %mul3A_110 = arith.mulf %mul3A_109, %max3A_107 : vector<5000x128xf32>
    %add3A_111 = arith.addf %add3A_56, %mul3A_110 : vector<5000x128xf32>
    %get3A_112 = arith.constant 2 : index
    %get3A_113 = arith.constant 0 : index
    %get3A_114 = arith.constant 0 : index
    %get3A_115 = vector.load %arg9[%get3A_112, %get3A_113, %get3A_114] : memref<4x128x130xf32, #tpu.memory_space<vmem>>, vector<1x128x130xf32>
    %get3A_116 = vector.shape_cast %get3A_115 : vector<1x128x130xf32> to vector<128x130xf32>
    %slice3A_117 = vector.extract_strided_slice %get3A_116 {offsets = [0, 0], sizes = [128, 128], strides = [1, 1]} : vector<128x130xf32> to vector<128x128xf32>
    %slice3A_118 = vector.extract_strided_slice %get3A_116 {offsets = [0, 128], sizes = [128, 1], strides = [1, 1]} : vector<128x130xf32> to vector<128x1xf32>
    %slice3A_119 = vector.extract_strided_slice %get3A_116 {offsets = [0, 129], sizes = [128, 1], strides = [1, 1]} : vector<128x130xf32> to vector<128x1xf32>
    %gt3A_120 = arith.cmpi sgt, %iota3A_13, %iota3A : vector<128x128xi32>
    %jit3A_121 = arith.constant 0.000000e+00 : f32
    %broadcast_in_dim3A_122 = vector.broadcast %jit3A_121 : f32 to vector<128x128xf32>
    %select_n3A_123 = arith.select %gt3A_120, %slice3A_117, %broadcast_in_dim3A_122 : vector<128x128xi1>, vector<128x128xf32>
    %transpose3A_124 = tpu.transpose %select_n3A_123, [1, 0] : vector<128x128xf32> -> vector<128x128xf32>
    %add3A_125 = arith.addf %select_n3A_123, %transpose3A_124 : vector<128x128xf32>
    %abs3A_126 = math.absf %add3A_125 : vector<128x128xf32>
    %reduce_sum3A_127 = arith.constant dense<0.000000e+00> : vector<128xf32>
    %reduce_sum3A_128 = vector.multi_reduction <add>, %abs3A_126, %reduce_sum3A_127 [1] : vector<128x128xf32> to vector<128xf32>
    %broadcast_in_dim3A_129 = vector.shape_cast %reduce_sum3A_128 : vector<128xf32> to vector<128x1xf32>
    %mul3A_130 = arith.mulf %slice3A_118, %broadcast_in_dim3A_129 : vector<128x1xf32>
    %add3A_131 = arith.addf %mul3A_130, %slice3A_119 : vector<128x1xf32>
    %eq3A_132 = arith.cmpi eq, %iota3A, %iota3A_13 : vector<128x128xi32>
    %jit3A_133 = arith.constant 0.000000e+00 : f32
    %broadcast_in_dim3A_134 = vector.shape_cast %add3A_131 : vector<128x1xf32> to vector<128x1xf32>
    %broadcast_in_dim3A_135 = vector.broadcast %broadcast_in_dim3A_134 : vector<128x1xf32> to vector<128x128xf32>
    %broadcast_in_dim3A_136 = vector.broadcast %jit3A_133 : f32 to vector<128x128xf32>
    %select_n3A_137 = arith.select %eq3A_132, %broadcast_in_dim3A_135, %broadcast_in_dim3A_136 : vector<128x128xi1>, vector<128x128xf32>
    %add3A_138 = arith.addf %add3A_125, %select_n3A_137 : vector<128x128xf32>
    %dot_general3A_139 = arith.constant dense<0.000000e+00> : vector<5000x128xf32>
    %dot_general3A_140 = tpu.matmul %add3A_111, %add3A_138, %dot_general3A_139 {dimension_numbers = #tpu.dot_dimension_numbers<[1], [0], [0], [1], [0, 0, 1, 1], [], []>, transpose_lhs_hint = false} : vector<5000x128xf32>, vector<128x128xf32>, vector<5000x128xf32> -> vector<5000x128xf32>
    %get3A_141 = arith.constant 2 : index
    %get3A_142 = arith.constant 0 : index
    %get3A_143 = vector.load %arg10[%get3A_141, %get3A_142] : memref<4x128xf32, #tpu.memory_space<vmem>>, vector<1x128xf32>
    %add3A_144 = vector.broadcast %get3A_143 : vector<1x128xf32> to vector<5000x128xf32>
    %add3A_145 = arith.addf %dot_general3A_140, %add3A_144 : vector<5000x128xf32>
    %mul3A_146 = vector.broadcast %get3A_4 : vector<5000x1xf32> to vector<5000x128xf32>
    %mul3A_147 = arith.mulf %add3A_145, %mul3A_146 : vector<5000x128xf32>
    %get3A_148 = arith.constant 2 : index
    %get3A_149 = arith.constant 0 : index
    %get3A_150 = vector.load %arg7[%get3A_148, %get3A_149] : memref<4x128xf32, #tpu.memory_space<vmem>>, vector<1x128xf32>
    %mul3A_151 = vector.broadcast %get3A_150 : vector<1x128xf32> to vector<5000x128xf32>
    %mul3A_152 = arith.mulf %add3A_111, %mul3A_151 : vector<5000x128xf32>
    %sub3A_153 = arith.subf %mul3A_147, %mul3A_152 : vector<5000x128xf32>
    %get3A_154 = arith.constant 2 : index
    %get3A_155 = arith.constant 0 : index
    %get3A_156 = vector.load %arg8[%get3A_154, %get3A_155] : memref<4x128xf32, #tpu.memory_space<vmem>>, vector<1x128xf32>
    %mul3A_157 = vector.broadcast %get3A_156 : vector<1x128xf32> to vector<5000x128xf32>
    %mul3A_158 = arith.mulf %add3A_12, %mul3A_157 : vector<5000x128xf32>
    %sub3A_159 = arith.subf %sub3A_153, %mul3A_158 : vector<5000x128xf32>
    %max3A_160 = arith.constant 0.000000e+00 : f32
    %max3A_161 = vector.broadcast %max3A_160 : f32 to vector<5000x128xf32>
    %max3A_162 = arith.maximumf %sub3A_159, %max3A_161 : vector<5000x128xf32>
    %mul3A_163 = arith.constant 1.000000e-01 : f32
    %mul3A_164 = vector.broadcast %mul3A_163 : f32 to vector<5000x128xf32>
    %mul3A_165 = arith.mulf %mul3A_164, %max3A_162 : vector<5000x128xf32>
    %add3A_166 = arith.addf %add3A_111, %mul3A_165 : vector<5000x128xf32>
    %get3A_167 = arith.constant 3 : index
    %get3A_168 = arith.constant 0 : index
    %get3A_169 = arith.constant 0 : index
    %get3A_170 = vector.load %arg9[%get3A_167, %get3A_168, %get3A_169] : memref<4x128x130xf32, #tpu.memory_space<vmem>>, vector<1x128x130xf32>
    %get3A_171 = vector.shape_cast %get3A_170 : vector<1x128x130xf32> to vector<128x130xf32>
    %slice3A_172 = vector.extract_strided_slice %get3A_171 {offsets = [0, 0], sizes = [128, 128], strides = [1, 1]} : vector<128x130xf32> to vector<128x128xf32>
    %slice3A_173 = vector.extract_strided_slice %get3A_171 {offsets = [0, 128], sizes = [128, 1], strides = [1, 1]} : vector<128x130xf32> to vector<128x1xf32>
    %slice3A_174 = vector.extract_strided_slice %get3A_171 {offsets = [0, 129], sizes = [128, 1], strides = [1, 1]} : vector<128x130xf32> to vector<128x1xf32>
    %gt3A_175 = arith.cmpi sgt, %iota3A_13, %iota3A : vector<128x128xi32>
    %jit3A_176 = arith.constant 0.000000e+00 : f32
    %broadcast_in_dim3A_177 = vector.broadcast %jit3A_176 : f32 to vector<128x128xf32>
    %select_n3A_178 = arith.select %gt3A_175, %slice3A_172, %broadcast_in_dim3A_177 : vector<128x128xi1>, vector<128x128xf32>
    %transpose3A_179 = tpu.transpose %select_n3A_178, [1, 0] : vector<128x128xf32> -> vector<128x128xf32>
    %add3A_180 = arith.addf %select_n3A_178, %transpose3A_179 : vector<128x128xf32>
    %abs3A_181 = math.absf %add3A_180 : vector<128x128xf32>
    %reduce_sum3A_182 = arith.constant dense<0.000000e+00> : vector<128xf32>
    %reduce_sum3A_183 = vector.multi_reduction <add>, %abs3A_181, %reduce_sum3A_182 [1] : vector<128x128xf32> to vector<128xf32>
    %broadcast_in_dim3A_184 = vector.shape_cast %reduce_sum3A_183 : vector<128xf32> to vector<128x1xf32>
    %mul3A_185 = arith.mulf %slice3A_173, %broadcast_in_dim3A_184 : vector<128x1xf32>
    %add3A_186 = arith.addf %mul3A_185, %slice3A_174 : vector<128x1xf32>
    %eq3A_187 = arith.cmpi eq, %iota3A, %iota3A_13 : vector<128x128xi32>
    %jit3A_188 = arith.constant 0.000000e+00 : f32
    %broadcast_in_dim3A_189 = vector.shape_cast %add3A_186 : vector<128x1xf32> to vector<128x1xf32>
    %broadcast_in_dim3A_190 = vector.broadcast %broadcast_in_dim3A_189 : vector<128x1xf32> to vector<128x128xf32>
    %broadcast_in_dim3A_191 = vector.broadcast %jit3A_188 : f32 to vector<128x128xf32>
    %select_n3A_192 = arith.select %eq3A_187, %broadcast_in_dim3A_190, %broadcast_in_dim3A_191 : vector<128x128xi1>, vector<128x128xf32>
    %add3A_193 = arith.addf %add3A_180, %select_n3A_192 : vector<128x128xf32>
    %dot_general3A_194 = arith.constant dense<0.000000e+00> : vector<5000x128xf32>
    %dot_general3A_195 = tpu.matmul %add3A_166, %add3A_193, %dot_general3A_194 {dimension_numbers = #tpu.dot_dimension_numbers<[1], [0], [0], [1], [0, 0, 1, 1], [], []>, transpose_lhs_hint = false} : vector<5000x128xf32>, vector<128x128xf32>, vector<5000x128xf32> -> vector<5000x128xf32>
    %get3A_196 = arith.constant 3 : index
    %get3A_197 = arith.constant 0 : index
    %get3A_198 = vector.load %arg10[%get3A_196, %get3A_197] : memref<4x128xf32, #tpu.memory_space<vmem>>, vector<1x128xf32>
    %add3A_199 = vector.broadcast %get3A_198 : vector<1x128xf32> to vector<5000x128xf32>
    %add3A_200 = arith.addf %dot_general3A_195, %add3A_199 : vector<5000x128xf32>
    %mul3A_201 = vector.broadcast %get3A_4 : vector<5000x1xf32> to vector<5000x128xf32>
    %mul3A_202 = arith.mulf %add3A_200, %mul3A_201 : vector<5000x128xf32>
    %get3A_203 = arith.constant 3 : index
    %get3A_204 = arith.constant 0 : index
    %get3A_205 = vector.load %arg7[%get3A_203, %get3A_204] : memref<4x128xf32, #tpu.memory_space<vmem>>, vector<1x128xf32>
    %mul3A_206 = vector.broadcast %get3A_205 : vector<1x128xf32> to vector<5000x128xf32>
    %mul3A_207 = arith.mulf %add3A_166, %mul3A_206 : vector<5000x128xf32>
    %sub3A_208 = arith.subf %mul3A_202, %mul3A_207 : vector<5000x128xf32>
    %get3A_209 = arith.constant 3 : index
    %get3A_210 = arith.constant 0 : index
    %get3A_211 = vector.load %arg8[%get3A_209, %get3A_210] : memref<4x128xf32, #tpu.memory_space<vmem>>, vector<1x128xf32>
    %mul3A_212 = vector.broadcast %get3A_211 : vector<1x128xf32> to vector<5000x128xf32>
    %mul3A_213 = arith.mulf %add3A_12, %mul3A_212 : vector<5000x128xf32>
    %sub3A_214 = arith.subf %sub3A_208, %mul3A_213 : vector<5000x128xf32>
    %max3A_215 = arith.constant 0.000000e+00 : f32
    %max3A_216 = vector.broadcast %max3A_215 : f32 to vector<5000x128xf32>
    %max3A_217 = arith.maximumf %sub3A_214, %max3A_216 : vector<5000x128xf32>
    %mul3A_218 = arith.constant 1.000000e-01 : f32
    %mul3A_219 = vector.broadcast %mul3A_218 : f32 to vector<5000x128xf32>
    %mul3A_220 = arith.mulf %mul3A_219, %max3A_217 : vector<5000x128xf32>
    %add3A_221 = arith.addf %add3A_166, %mul3A_220 : vector<5000x128xf32>
    %get3A_222 = arith.constant 0 : index
    %get3A_223 = arith.constant 0 : index
    %get3A_224 = vector.load %arg5[%get3A_222, %get3A_223] : memref<128x40xf32, #tpu.memory_space<vmem>>, vector<128x40xf32>
    %dot_general3A_225 = arith.constant dense<0.000000e+00> : vector<5000x40xf32>
    %dot_general3A_226 = tpu.matmul %add3A_221, %get3A_224, %dot_general3A_225 {dimension_numbers = #tpu.dot_dimension_numbers<[1], [0], [0], [1], [0, 0, 1, 1], [], []>, transpose_lhs_hint = false} : vector<5000x128xf32>, vector<128x40xf32>, vector<5000x40xf32> -> vector<5000x40xf32>
    %get3A_227 = arith.constant 0 : index
    %get3A_228 = arith.constant 0 : index
    %get3A_229 = vector.load %arg6[%get3A_227, %get3A_228] : memref<1x40xf32, #tpu.memory_space<vmem>>, vector<1x40xf32>
    %add3A_230 = vector.broadcast %get3A_229 : vector<1x40xf32> to vector<5000x40xf32>
    %add3A_231 = arith.addf %dot_general3A_226, %add3A_230 : vector<5000x40xf32>
    %swap3A = arith.constant 0 : index
    %swap3A_232 = arith.constant 0 : index
    %swap3A_233 = vector.load %arg11[%swap3A, %swap3A_232] : memref<5000x40xf32, #tpu.memory_space<vmem>>, vector<5000x40xf32>
    tpu.vector_store %arg11[%swap3A, %swap3A_232], %add3A_231 {strides = array<i32>} : memref<5000x40xf32, #tpu.memory_space<vmem>>, vector<5000x40xf32>,
    return
  }
  func.func @transform_0(%arg0: i32) -> (i32, i32) {
    %c0_i32 = arith.constant 0 : i32
    %c0_i32_0 = arith.constant 0 : i32
    return %arg0, %c0_i32 : i32, i32
  }
  func.func @transform_1(%arg0: i32) -> (i32, i32) {
    %c0_i32 = arith.constant 0 : i32
    %c0_i32_0 = arith.constant 0 : i32
    return %arg0, %c0_i32 : i32, i32
  }
  func.func @transform_2(%arg0: i32) -> (i32, i32) {
    %c0_i32 = arith.constant 0 : i32
    %c0_i32_0 = arith.constant 0 : i32
    %c0_i32_1 = arith.constant 0 : i32
    return %c0_i32, %c0_i32_0 : i32, i32
  }
  func.func @transform_3(%arg0: i32) -> (i32, i32) {
    %c0_i32 = arith.constant 0 : i32
    %c0_i32_0 = arith.constant 0 : i32
    %c0_i32_1 = arith.constant 0 : i32
    return %c0_i32, %c0_i32_0 : i32, i32
  }
  func.func @transform_4(%arg0: i32) -> (i32, i32) {
    %c0_i32 = arith.constant 0 : i32
    %c0_i32_0 = arith.constant 0 : i32
    %c0_i32_1 = arith.constant 0 : i32
    return %c0_i32, %c0_i32_0 : i32, i32
  }
  func.func @transform_5(%arg0: i32) -> (i32, i32) {
    %c0_i32 = arith.constant 0 : i32
    %c0_i32_0 = arith.constant 0 : i32
    %c0_i32_1 = arith.constant 0 : i32
    return %c0_i32, %c0_i32_0 : i32, i32
  }
  func.func @transform_6(%arg0: i32) -> (i32, i32) {
    %c0_i32 = arith.constant 0 : i32
    %c0_i32_0 = arith.constant 0 : i32
    %c0_i32_1 = arith.constant 0 : i32
    return %c0_i32, %c0_i32_0 : i32, i32
  }
  func.func @transform_7(%arg0: i32) -> (i32, i32) {
    %c0_i32 = arith.constant 0 : i32
    %c0_i32_0 = arith.constant 0 : i32
    %c0_i32_1 = arith.constant 0 : i32
    return %c0_i32, %c0_i32_0 : i32, i32
  }
  func.func @transform_8(%arg0: i32) -> (i32, i32, i32) {
    %c0_i32 = arith.constant 0 : i32
    %c0_i32_0 = arith.constant 0 : i32
    %c0_i32_1 = arith.constant 0 : i32
    %c0_i32_2 = arith.constant 0 : i32
    return %c0_i32, %c0_i32_0, %c0_i32_1 : i32, i32, i32
  }
  func.func @transform_9(%arg0: i32) -> (i32, i32) {
    %c0_i32 = arith.constant 0 : i32
    %c0_i32_0 = arith.constant 0 : i32
    %c0_i32_1 = arith.constant 0 : i32
    return %c0_i32, %c0_i32_0 : i32, i32
  }
  func.func @transform_10(%arg0: i32) -> (i32, i32) {
    %c0_i32 = arith.constant 0 : i32
    %c0_i32_0 = arith.constant 0 : i32
    return %arg0, %c0_i32 : i32, i32
  }
}

</mosaic_0001>

<sc_bundles>
// kernel: kernel.4.cloned.1.call-start
scs
__scs_entry_jumppad:
0x0: {  	(pc) =	sbr.rel $0x88, $3  }
0x1: {  	(tag) =	ssettag $0x0;
	lr =	simm.s32 $0x1  }
0x2: {  	[smem:$0x3F97] =	sst lr;
	_ =	strace $0xD0000000  }
0x3: {  	_ = 	snop  }
0x4: {  	_ = 	snop  }
0x5: {  	_ = 	snop  }
0x6: {  	_ = 	snop  }
0x7: {  	_ = 	snop  }
__scs_overlays_trampoline_lowered:
0x8: {  	[smem:$0x3FA6] =	sst s0  }
0x9: {  	[smem:$0x3FA7] =	sst s1  }
0xa: {  	[smem:$0x3FA8] =	sst s2  }
0xb: {  	[smem:$0x3FA9] =	sst s3  }
0xc: {  	[smem:$0x3FAA] =	sst s4  }
0xd: {  	[smem:$0x3FAB] =	sst s5  }
0xe: {  	[smem:$0x3FAC] =	sst s6  }
0xf: {  	[smem:$0x3FAD] =	sst s7  }
0x10: {  	[smem:$0x3FAE] =	sst s8  }
0x11: {  	[smem:$0x3FAF] =	sst s9;
	s0 =	simm.s32 @!p0 $0x0  }
0x12: {  	s1 =	sld [smem:$0x3F95];
	s0 =	simm.s32 @p0 $0x1  }
0x13: {  	[smem:$0x3FB0] =	sst s0;
	s0 =	simm.s32 @!p1 $0x0  }
0x14: {  	s2 =	sld [smem:$0x3F94];
	s0 =	simm.s32 @p1 $0x1  }
0x15: {  	[smem:$0x3FB1] =	sst s0;
	s0 =	simm.s32 @!p2 $0x0  }
0x16: {  	s3 =	sld [smem:$0x3FDB];
	s0 =	simm.s32 @p2 $0x1  }
0x17: {  	s4 =	simm.s32 $0x1BF5;
	[smem:$0x3FB3] =	sst s0  }
0x18: {  	s0 =	sld [smem:$0x3F96];
	_ =	swait.ge [sflag:s4], $0x0  }
0x19: {  	s7 =	sld [smem:$0x3F97]  }
0x1a: {  	s8 =	sadd.s32 $0xFFFFE003, lr  }
0x1b: {  	s9 =	sadd.s32 $0xFFFFFEF7, lr;
	s5 =	simm.s32 $0xFFFFFFFF;
	p2 =	slt.u32 s8, $0xFFFFF086  }
0x1c: {  	p1 =	slt.u32 s9, $0xF7A;
	s5 =	simm.s32 @!p2 $0x0  }
0x1d: {  	s5 =	simm.s32 @p1 $0x1;
	p0 =	seq.s32 s7, s2  }
0x1e: {  	s7 =	smul.u32 @!p0 $0xF7A, s2;
	p2 =	seq.s32 @!p0 s5, $0x0  }
0x1f: {  	s9 =	smul.u32 $0xF7A, s1;
	s8 =	simm.s32 @!p0 $0x1BF5;
	p2 =	por !p2, p0  }
0x20: {  	[sflag:s8] =	ssyncset.s32 @!p0 $0xFFFFF086;
	s6 =	sadd.s32 @!p0 s3, s7;
	s7 =	simm.s32 @!p0 $0x108  }
0x21: {  	s3 =	sadd.s32 s3, s9;
	s6 =	sadd.s32 @!p0 $0x88, s6;
	s7 =	simm.s32 @p2 $0x1082  }
0x22: {  	[simem:s7], [sflag:s8] =	dma.local @!p0 [hbm:s6], $0xF7A  }
0x23: {  	s9 =	sor.u32 $0xD0000000, s2;
	s6 =	simm.s32 $0x108;
	_ =	swait.ge @!p0 [sflag:s8], $0x0  }
0x24: {  	s3 =	sadd.s32 $0x88, s3;
	s6 =	simm.s32 @!p1 $0x1082;
	[sflag:s4] =	ssyncset.s32 $0xFFFFF086  }
0x25: {  	[simem:s6], [sflag:s4] =	dma.local [hbm:s3], $0xF7A  }
0x26: {  	[smem:$0x3F97] =	sst s1;
	(tag) =	ssettag s2;
	_ =	strace s9  }
0x27: {  	s1 =	sld [smem:$0x3FA7]  }
0x28: {  	s2 =	sld [smem:$0x3FA8]  }
0x29: {  	s4 =	sld [smem:$0x3FAA]  }
0x2a: {  	p0 =	seq.s32 s5, $0x0;
	s5 =	sld [smem:$0x3FAB]  }
0x2b: {  	s6 =	sld [smem:$0x3FAC]  }
0x2c: {  	s7 =	sld [smem:$0x3FAD]  }
0x2d: {  	s3 =	simm.s32 $0x108;
	s8 =	sld [smem:$0x3FAE]  }
0x2e: {  	s3 =	simm.s32 @!p0 $0x1082;
	s9 =	sld [smem:$0x3FAF]  }
0x2f: {  	lr =	sadd.s32 s0, s3;
	s0 =	sld [smem:$0x3FA6]  }
0x30: {  	s3 =	sld [smem:$0x3FA9]  }
0x31: {  	[smem:$0x3FB2] =	sst s10  }
0x32: {  	s10 =	sld [smem:$0x3FB0];
	_ =	sdelay $0x3  }
0x33: {  	p0 =	seq.s32 s10, $0x1;
	s10 =	sld [smem:$0x3FB2];
	_ =	sdelay $0x3  }
0x34: {  	[smem:$0x3FB2] =	sst s10  }
0x35: {  	s10 =	sld [smem:$0x3FB1];
	_ =	sdelay $0x3  }
0x36: {  	p1 =	seq.s32 s10, $0x1;
	s10 =	sld [smem:$0x3FB2];
	_ =	sdelay $0x3  }
0x37: {  	[smem:$0x3FB2] =	sst s10  }
0x38: {  	s10 =	sld [smem:$0x3FB3]  }
0x39: {  	_ = 	snop;
	(pc) =	sbr.ind lr, $3  }
0x3a: {  	_ = 	snop  }
0x3b: {  	_ = 	snop  }
0x3c: {  	p2 =	seq.s32 s10, $0x1;
	s10 =	sld [smem:$0x3FB2]  }
0x3d: {  	_ =	shalt  }
0x3e: {  	_ =	shalt  }
0x3f: {  	_ =	shalt  }
0x40: {  	_ =	shalt  }
0x41: {  	_ =	shalt  }
0x42: {  	_ =	shalt  }
0x43: {  	_ =	shalt  }
0x44: {  	_ =	shalt  }
0x45: {  	_ =	shalt  }
0x46: {  	_ =	shalt  }
0x47: {  	_ =	shalt  }
0x48: {  	_ =	shalt  }
0x49: {  	_ =	shalt  }
0x4a: {  	_ =	shalt  }
0x4b: {  	_ =	shalt  }
0x4c: {  	_ =	shalt  }
0x4d: {  	_ =	shalt  }
0x4e: {  	_ =	shalt  }
0x4f: {  	_ =	shalt  }
0x50: {  	_ =	shalt  }
0x51: {  	_ =	shalt  }
0x52: {  	_ =	shalt  }
0x53: {  	_ =	shalt  }
0x54: {  	_ =	shalt  }
0x55: {  	_ =	shalt  }
0x56: {  	_ =	shalt  }
0x57: {  	_ =	shalt  }
0x58: {  	_ =	shalt  }
0x59: {  	_ =	shalt  }
0x5a: {  	_ =	shalt  }
0x5b: {  	_ =	shalt  }
0x5c: {  	_ =	shalt  }
0x5d: {  	_ =	shalt  }
0x5e: {  	_ =	shalt  }
0x5f: {  	_ =	shalt  }
0x60: {  	_ =	shalt  }
0x61: {  	_ =	shalt  }
0x62: {  	_ =	shalt  }
0x63: {  	_ =	shalt  }
0x64: {  	_ =	shalt  }
0x65: {  	_ =	shalt  }
0x66: {  	_ =	shalt  }
0x67: {  	_ =	shalt  }
0x68: {  	_ =	shalt  }
0x69: {  	_ =	shalt  }
0x6a: {  	_ =	shalt  }
0x6b: {  	_ =	shalt  }
0x6c: {  	_ =	shalt  }
0x6d: {  	_ =	shalt  }
0x6e: {  	_ =	shalt  }
0x6f: {  	_ =	shalt  }
0x70: {  	_ =	shalt  }
0x71: {  	_ =	shalt  }
0x72: {  	_ =	shalt  }
0x73: {  	_ =	shalt  }
0x74: {  	_ =	shalt  }
0x75: {  	_ =	shalt  }
0x76: {  	_ =	shalt  }
0x77: {  	_ =	shalt  }
0x78: {  	_ =	shalt  }
0x79: {  	_ =	shalt  }
0x7a: {  	_ =	shalt  }
0x7b: {  	_ =	shalt  }
0x7c: {  	_ =	shalt  }
0x7d: {  	_ =	shalt  }
0x7e: {  	_ =	shalt  }
0x7f: {  	_ =	shalt  }
0x80: {  	_ =	shalt  }
0x81: {  	_ =	shalt  }
0x82: {  	_ =	shalt  }
0x83: {  	_ =	shalt  }
0x84: {  	_ =	shalt  }
0x85: {  	_ =	shalt  }
0x86: {  	_ =	shalt  }
0x87: {  	_ =	shalt  }
.Lfunc_end0:
.L_simem_size_0:
called_computation_lowered:
.L_overlay_start_0:
0x88: {  	s2 =	sld [smem:$0x3FD9]  }
0x89: {  	s3 =	sld [smem:$0x3FFE];
	_ =	sdelay $0x1  }
0x8a: {  	s1 =	srdreg.scid  }
0x8b: {  	s0 =	sand.u32 $0x1, s1  }
0x8c: {  	s17 =	sshll.u32 s0, $0xA;
	s2 =	sadd.s32 s3, s2  }
0x8d: {  	s2 =	sadd.s32 s2, s17  }
0x8e: {  	[smem:$0x3FBE] =	sst s2  }
0x8f: {  	_ = 	snop  }
0x90: {  	s2 =	sld [smem:$0x3FD0];
	(tm) =	ssettm $0x1  }
0x91: {  	s18 =	sld [smem:$0x3FFB];
	_ =	sdelay $0x3  }
0x92: {  	_ =	strace s18  }
0x93: {  	s3 =	sld [smem:$0x3FFC];
	_ =	sdelay $0x3  }
0x94: {  	_ =	strace s3  }
0x95: {  	s3 =	sld [smem:$0x3FFD];
	_ =	sdelay $0x3  }
0x96: {  	_ =	strace s3  }
0x97: {  	_ =	strace $0x8FFFFFFF  }
0x98: {  	s19 =	sld [smem:$0x3FDB];
	_ =	sdelay $0x1  }
0x99: {  	s4 =	simm.s32 $_scs_section_size  }
0x9a: {  	s5 =	simm.s32 $_size__tile_overlayer_lowered;
	s6 =	simm.s32 $_tile_overlayer_lowered  }
0x9b: {  	s22 =	simm.s32 $0x1BFF;
	s21 =	sshll.u32 s6, $0x1;
	s3 =	sadd.s32 s4, s19  }
0x9c: {  	s7 =	simm.s32 $0x0;
	s20 =	sshll.u32 s5, $0x1;
	s5 =	sadd.s32 s21, s3  }
0x9d: {  	[timem:s7], [sflag:s22] =	dma.local [hbm:s5], s20  }
0x9e: {  	_ =	swait.ge [sflag:s22], s20  }
0x9f: {  	s4 =	ssub.s32 $0x0, s20;
	[sflag:s22] =	ssyncset.done $0x0  }
0xa0: {  	[sflag:s22] =	ssyncadd.s32 s4;
	_ =	sdelay $0x1  }
0xa1: {  	s23 =	simm.s32 $0x1B8B  }
0xa2: {  	_ =	swait.ge [sflag:s23], $0x1  }
0xa3: {  	[sflag:s23] =	ssyncset.done $0x0  }
0xa4: {  	s25 =	simm.s32 $0x1B8E;
	s24 =	sld [smem:$0x3FFE];
	[sflag:s23] =	ssyncadd.s32 $0xFFFFFFFF  }
0xa5: {  	s26 =	simm.s32 $execute0_lowered;
	[smem:$0x3FD2] =	sst s25  }
0xa6: {  	s5 =	sshll.u32 s26, $0x1;
	_ =	strace $0x80000046;
	[dreg:$0x1] =	wrdreg $0xFFFFFFFF  }
0xa7: {  	s28 =	simm.s32 $_size_execute0_lowered;
	s3 =	sadd.s32 s3, s5;
	[dreg:$0x0] =	wrdreg $0x0  }
0xa8: {  	s5 =	sshll.u32 s28, $0x1;
	[dreg:$0x2] =	wrdreg s3  }
0xa9: {  	[dreg:$0x3] =	wrdreg s5  }
0xaa: {  	[dreg:$0x4] =	wrdreg $0xC0  }
0xab: {  	_ =	task [dreg:s7], $0x5FFFF  }
0xac: {  	[dreg:$0x1] =	wrdreg $0xFFFFFFFF  }
0xad: {  	[dreg:$0x0] =	wrdreg $0x60  }
0xae: {  	[dreg:$0x2] =	wrdreg s24  }
0xaf: {  	[dreg:$0x3] =	wrdreg s2  }
0xb0: {  	[dreg:$0x4] =	wrdreg $0xFB000  }
0xb1: {  	[dreg:$0x5] =	wrdreg $0xFD800  }
0xb2: {  	[dreg:$0x6] =	wrdreg $0x9  }
0xb3: {  	_ =	task.clear_ibuf [dreg:s7], $0x7FFFF;
	_ =	strace $0x90000046  }
0xb4: {  	s29 =	simm.s32 $0x9;
	_ =	strace $0x80000048  }
0xb5: {  	_ =	swait.ge [sflag:s29], $0x1  }
0xb6: {  	[sflag:s29] =	ssyncadd.s32 $0xFFFFFFFF  }
0xb7: {  	_ =	strace $0x90000048  }
0xb8: {  	_ =	sfence  }
0xb9: {  	s30 =	sld [smem:$0x0];
	_ =	sdelay $0x2  }
0xba: {  	s31 =	sshll.u32 s1, $0xD;
	s1 =	sshrl.u32 s1, $0x2  }
0xbb: {  	s3 =	sand.u32 $0x4000, s31;
	s1 =	sadd.s32 s1, s30  }
0xbc: {  	s0 =	sor.u32 s3, s0;
	s1 =	sshll.u32 s1, $0x11  }
0xbd: {  	s0 =	sor.u32 s1, s0  }
0xbe: {  	s0 =	sadd.s32 $0x8F2B, s0  }
0xbf: {  	[sflag:s0] =	ssyncadd.remote.s32 $0x1  }
0xc0: {  	_ =	sfence.sel $0xFFFF  }
0xc1: {  	[dreg:$0x0] =	wrdreg $0xFFFFFFFF;
	(pc) =	sbr.abs _section_cstart, $3  }
0xc2: {  	[dreg:$0x1] =	wrdreg $0xFFFFFFFF  }
0xc3: {  	_ =	task.clear_ibuf [dreg:s7], $0x2FFFF;
	_ =	strace $0x9FFFFFFF  }
0xc4: {  	(tm) =	ssettm $0x7FFFFFFF  }
0xc5: {  	_ =	shalt  }
tec
execute0_lowered:
.L_overlay_start_1:
0x0: {  	(tag) =	ssettag $0x1  }
0x1: {  	s0 =	rddreg [dreg:$0x0]  }
0x2: {  	s2 =	rddreg [dreg:$0x1]  }
0x3: {  	s1 =	rddreg [dreg:$0x2]  }
0x4: {  	s3 =	rddreg [dreg:$0x3];
	s10 =	stileid.u32  }
0x5: {  	s4 =	simm.s32 $0x0;
	s6 =	srdreg.scid;
	s5 =	smul.u32 $0x4E20, s10  }
0x6: {  	s30 =	simm.s32 $0x1;
	s31 =	simm.s32 $0xF880;
	s8 =	smul.u32 $0x280, s10  }
0x7: {  	[smem:$0x7FF] =	sst s4;
	s6 =	sand.u32 $0x1, s6;
	s10 =	smul.u32 $0x140, s10  }
0x8: {  	s29 =	simm.s32 $0x9D00;
	_ =	strace $0x80000047;
	s9 =	smul.u32 $0x1400, s6  }
0x9: {  	s7 =	ssub.s32 $0x2, s6;
	s11 =	smul.u32 $0x2800, s6;
	s5 =	sshrl.u32 s5, $0x3  }
0xa: {  	s15 =	sshrl.u32 s7, $0x1;
	s18 =	sadd.s32 s8, s3;
	s0 =	sadd.s32 s5, s0  }
0xb: {  	s5 =	ssub.s32 s7, s15;
	s7 =	sadd.s32 s8, s1;
	s17 =	sadd.s32 s10, s9  }
0xc: {  	[dreg:$0x7] =	wrdreg s18;
	s8 =	sadd.s32 s8, s11;
	s9 =	smul.u32 $0x2710, s6  }
0xd: {  	s6 =	simm.s32 $0xF600;
	s10 =	simm.s32 $0x0;
	s16 =	sadd.s32 $0x1E00, s0  }
0xe: {  	s0 =	sadd.s32 $0xBA40, s0;
	s19 =	sshrl.u32 s17, $0x3;
	s8 =	sshrl.u32 s8, $0x3  }
0xf: {  	s22 =	smax.u32 s5, $0x1;
	s5 =	simm.s32 $0xF380;
	[dreg:$0x5] =	wrdreg s16  }
0x10: {  	[dreg:$0x6] =	wrdreg s0;
	s20 =	sadd.s32 s2, s19;
	s2 =	sadd.s32 s2, s8  }
0x11: {  	s0 =	sadd.s32 s17, s3;
	[dreg:$0xb] =	wrdreg s22;
	s14 =	sadd.s32 $0xA500, s9  }
0x12: {  	s23 =	sadd.s32 $0x7D0, s9;
	s16 =	sadd.s32 $0xACD0, s9;
	[dreg:$0x8] =	wrdreg s2  }
0x13: {  	s24 =	sadd.s32 $0xFA0, s9;
	s18 =	sadd.s32 $0xB4A0, s9;
	[dreg:$0x9] =	wrdreg s0  }
0x14: {  	s25 =	sadd.s32 $0x1770, s9;
	s26 =	sadd.s32 $0x1F40, s9;
	[dreg:$0xc] =	wrdreg s23  }
0x15: {  	s22 =	sadd.s32 $0xC440, s9;
	s28 =	sadd.s32 $0x6DC0, s9;
	[dreg:$0xd] =	wrdreg s24  }
0x16: {  	s8 =	simm.s32 $0x2;
	s21 =	sadd.s32 $0xA00, s20;
	[dreg:$0xe] =	wrdreg s25  }
0x17: {  	s20 =	sadd.s32 $0xBC70, s9;
	[dreg:$0xf] =	wrdreg s26;
	s23 =	sadd.s32 $0x4E80, s9  }
0x18: {  	s24 =	sadd.s32 $0x5650, s9;
	s25 =	sadd.s32 $0x5E20, s9;
	s26 =	sadd.s32 $0x65F0, s9  }
0x19: {  	v0 =	vimm.f32 $1.000000000e+00;
	v1 =	vimm.f32 $0.0e+00;
	s0 =	simm.s32 $0x3;
	s2 =	simm.s32 $0x7D0;
	[dreg:$0xa] =	wrdreg s21  }
.LBB2_1:
0x1a: {  	s11 =	rddreg [dreg:$0x5]  }
0x1b: {  	[tilespmem:s4], [sflag:$0x1] =	stream.linear.gather [hbm4b:s11+s4], $0x4E20, $0x38;
	[tilespmem:$0x10000] =	vst v63  }
0x1c: {  	s21 =	rddreg [dreg:$0x6];
	s12 =	simm.s32 $0x4E80  }
0x1d: {  	[tilespmem:s12], [sflag:$0x1] =	stream.linear.gather [hbm4b:s21+s4], $0x4E20, $0x38;
	[tilespmem:$0x10000] =	vst v63  }
0x1e: {  	s11 =	simm.s32 $0x40;
	s12 =	simm.s32 $0x0  }
.LBB2_2:
0x1f: {  	p0 =	sne.s32 s11, $0x1F00;
	[tilespmem:s12+$0x9D00] =	vst v0;
	s12 =	smov.u32 s11;
	s11 =	sadd.s32 $0x40, s11  }
.Ltmp0:
0x20: {  	(pc) =	sbr.rel @p0 .LBB2_2-.Ltmp0, $2  }
0x21: {  	_ =	sdelay $0x2  }
0x22: {  	s12 =	sshra.s32 s12, $0x2  }
0x23: {  	[tilespmem:s12+$0x9D00] =	vst v0  }
0x24: {  	[tilespmem:$0xF880] =	vst v1  }
0x25: {  	[tilespmem:$0xF890] =	vst v1  }
0x26: {  	[tilespmem:$0xF8A0] =	vst v1  }
0x27: {  	[tilespmem:$0xF8B0] =	vst v1  }
0x28: {  	[tilespmem:$0xF8C0] =	vst v1  }
0x29: {  	[tilespmem:$0xF8D0] =	vst v1  }
0x2a: {  	[tilespmem:$0xF8E0] =	vst v1  }
0x2b: {  	[tilespmem:$0xF8F0] =	vst v1  }
0x2c: {  	[tilespmem:$0xF900] =	vst v1  }
0x2d: {  	[tilespmem:$0xF910] =	vst v1  }
0x2e: {  	[tilespmem:$0xF920] =	vst v1  }
0x2f: {  	[tilespmem:$0xF930] =	vst v1  }
0x30: {  	[tilespmem:$0xF940] =	vst v1  }
0x31: {  	[tilespmem:$0xF950] =	vst v1  }
0x32: {  	[tilespmem:$0xF960] =	vst v1  }
0x33: {  	[tilespmem:$0xF970] =	vst v1  }
0x34: {  	[tilespmem:$0xF980] =	vst v1  }
0x35: {  	[tilespmem:$0xF990] =	vst v1  }
0x36: {  	[tilespmem:$0xF9A0] =	vst v1  }
0x37: {  	[tilespmem:$0xF9B0] =	vst v1  }
0x38: {  	[tilespmem:$0xF9C0] =	vst v1  }
0x39: {  	[tilespmem:$0xF9D0] =	vst v1  }
0x3a: {  	[tilespmem:$0xF9E0] =	vst v1  }
0x3b: {  	[tilespmem:$0xF9F0] =	vst v1  }
0x3c: {  	[tilespmem:$0xFA00] =	vst v1  }
0x3d: {  	[tilespmem:$0xFA10] =	vst v1  }
0x3e: {  	[tilespmem:$0xFA20] =	vst v1  }
0x3f: {  	[tilespmem:$0xFA30] =	vst v1  }
0x40: {  	[tilespmem:$0xFA40] =	vst v1  }
0x41: {  	[tilespmem:$0xFA50] =	vst v1  }
0x42: {  	[tilespmem:$0xFA60] =	vst v1  }
0x43: {  	[tilespmem:$0xFA70] =	vst v1  }
0x44: {  	[tilespmem:$0xFA80] =	vst v1  }
0x45: {  	[tilespmem:$0xFA90] =	vst v1  }
0x46: {  	[tilespmem:$0xFAA0] =	vst v1  }
0x47: {  	[tilespmem:$0xFAB0] =	vst v1  }
0x48: {  	[tilespmem:$0xFAC0] =	vst v1  }
0x49: {  	[tilespmem:$0xFAD0] =	vst v1  }
0x4a: {  	[tilespmem:$0xFAE0] =	vst v1  }
0x4b: {  	[tilespmem:$0xFAF0] =	vst v1  }
0x4c: {  	_ =	swait.ge [sflag:s30], $0x4E20  }
0x4d: {  	[sflag:s30] =	ssyncset.done $0x0  }
0x4e: {  	[sflag:s30] =	ssyncadd.s32 $0xFFFFB1E0  }
0x4f: {  	_ =	swait.ge [sflag:s30], $0x4E20  }
0x50: {  	[sflag:s30] =	ssyncset.done $0x0  }
0x51: {  	[sflag:s30] =	ssyncadd.s32 $0xFFFFB1E0  }
0x52: {  	[spmem:s7] =	stream.linear.scatter [tilespmem:s31], [sflag:$0x3], $0x280, $0x38;
	[tilespmem:$0x10000] =	vst v63  }
0x53: {  	_ =	swait.ge [sflag:s0], $0x280  }
0x54: {  	[sflag:s0] =	ssyncset.done $0x0  }
0x55: {  	[sflag:s0] =	ssyncadd.s32 $0xFFFFFD80  }
0x56: {  	s11 =	simm.s32 $0x0;
	[bflag:$0x0] =	sbarrier.arrive $0xFFFF  }
0x57: {  	[spmem:s1] =	stream.indirect.scatter.add.f32 [tilespmem:s29], [sflag:$0x1], $0x1, s11, s2, $0xb8;
	[tilespmem:$0x10000] =	vst v63  }
0x58: {  	_ = 	snop  }
0x59: {  	[spmem:s1] =	stream.indirect.scatter.add.f32 [tilespmem:s29], [sflag:$0x1], $0x1, s2, s2, $0xb8;
	[tilespmem:$0x10000] =	vst v63  }
0x5a: {  	s19 =	simm.s32 $0xFA0  }
0x5b: {  	[spmem:s1] =	stream.indirect.scatter.add.f32 [tilespmem:s29], [sflag:$0x1], $0x1, s19, s2, $0xb8;
	[tilespmem:$0x10000] =	vst v63  }
0x5c: {  	s21 =	simm.s32 $0x1770  }
0x5d: {  	[spmem:s1] =	stream.indirect.scatter.add.f32 [tilespmem:s29], [sflag:$0x1], $0x1, s21, s2, $0xb8;
	[tilespmem:$0x10000] =	vst v63  }
0x5e: {  	s12 =	simm.s32 $0x1F40  }
0x5f: {  	[spmem:s1] =	stream.indirect.scatter.add.f32 [tilespmem:s29], [sflag:$0x1], $0x1, s12, s2, $0xb8;
	[tilespmem:$0x10000] =	vst v63  }
0x60: {  	s13 =	simm.s32 $0x2710  }
0x61: {  	[spmem:s1] =	stream.indirect.scatter.add.f32 [tilespmem:s29], [sflag:$0x1], $0x1, s13, s2, $0xb8;
	[tilespmem:$0x10000] =	vst v63  }
0x62: {  	s15 =	simm.s32 $0x2EE0  }
0x63: {  	[spmem:s1] =	stream.indirect.scatter.add.f32 [tilespmem:s29], [sflag:$0x1], $0x1, s15, s2, $0xb8;
	[tilespmem:$0x10000] =	vst v63  }
0x64: {  	s17 =	simm.s32 $0x36B0  }
0x65: {  	[spmem:s1] =	stream.indirect.scatter.add.f32 [tilespmem:s29], [sflag:$0x1], $0x1, s17, s2, $0xb8;
	[tilespmem:$0x10000] =	vst v63  }
0x66: {  	s19 =	simm.s32 $0x3E80  }
0x67: {  	[spmem:s1] =	stream.indirect.scatter.add.f32 [tilespmem:s29], [sflag:$0x1], $0x1, s19, s2, $0xb8;
	[tilespmem:$0x10000] =	vst v63  }
0x68: {  	s21 =	simm.s32 $0x4650  }
0x69: {  	[spmem:s1] =	stream.indirect.scatter.add.f32 [tilespmem:s29], [sflag:$0x1], $0x1, s21, s2, $0xb8;
	[tilespmem:$0x10000] =	vst v63  }
0x6a: {  	_ =	swait.ge [sflag:s30], $0x7D0  }
0x6b: {  	[sflag:s30] =	ssyncset.done $0x0  }
0x6c: {  	[sflag:s30] =	ssyncadd.s32 $0xFFFFF830  }
0x6d: {  	_ =	swait.ge [sflag:s30], $0x7D0  }
0x6e: {  	[sflag:s30] =	ssyncset.done $0x0  }
0x6f: {  	[sflag:s30] =	ssyncadd.s32 $0xFFFFF830  }
0x70: {  	_ =	swait.ge [sflag:s30], $0x7D0  }
0x71: {  	[sflag:s30] =	ssyncset.done $0x0  }
0x72: {  	[sflag:s30] =	ssyncadd.s32 $0xFFFFF830  }
0x73: {  	_ =	swait.ge [sflag:s30], $0x7D0  }
0x74: {  	[sflag:s30] =	ssyncset.done $0x0  }
0x75: {  	[sflag:s30] =	ssyncadd.s32 $0xFFFFF830  }
0x76: {  	_ =	swait.ge [sflag:s30], $0x7D0  }
0x77: {  	[sflag:s30] =	ssyncset.done $0x0  }
0x78: {  	[sflag:s30] =	ssyncadd.s32 $0xFFFFF830  }
0x79: {  	_ =	swait.ge [sflag:s30], $0x7D0  }
0x7a: {  	[sflag:s30] =	ssyncset.done $0x0  }
0x7b: {  	[sflag:s30] =	ssyncadd.s32 $0xFFFFF830  }
0x7c: {  	_ =	swait.ge [sflag:s30], $0x7D0  }
0x7d: {  	[sflag:s30] =	ssyncset.done $0x0  }
0x7e: {  	[sflag:s30] =	ssyncadd.s32 $0xFFFFF830  }
0x7f: {  	_ =	swait.ge [sflag:s30], $0x7D0  }
0x80: {  	[sflag:s30] =	ssyncset.done $0x0  }
0x81: {  	[sflag:s30] =	ssyncadd.s32 $0xFFFFF830  }
0x82: {  	_ =	swait.ge [sflag:s30], $0x7D0  }
0x83: {  	[sflag:s30] =	ssyncset.done $0x0  }
0x84: {  	[sflag:s30] =	ssyncadd.s32 $0xFFFFF830  }
0x85: {  	_ =	swait.ge [sflag:s30], $0x7D0  }
0x86: {  	[sflag:s30] =	ssyncset.done $0x0  }
0x87: {  	[sflag:s30] =	ssyncadd.s32 $0xFFFFF830  }
0x88: {  	[bflag:$0x0] =	sbarrier.arrive $0xFFFF  }
0x89: {  	[tilespmem:s5], [sflag:$0x3] =	stream.linear.gather [spmem:s7], $0x280, $0x38;
	[tilespmem:$0x10000] =	vst v63  }
0x8a: {  	_ =	swait.ge [sflag:s0], $0x280  }
0x8b: {  	[sflag:s0] =	ssyncset.done $0x0  }
0x8c: {  	[sflag:s0] =	ssyncadd.s32 $0xFFFFFD80  }
0x8d: {  	[spmem:s7] =	stream.linear.scatter [tilespmem:s31], [sflag:$0x3], $0x280, $0x38;
	[tilespmem:$0x10000] =	vst v63  }
0x8e: {  	_ =	swait.ge [sflag:s0], $0x280  }
0x8f: {  	[sflag:s0] =	ssyncset.done $0x0  }
0x90: {  	s13 =	simm.s32 $0x0;
	[sflag:s0] =	ssyncadd.s32 $0xFFFFFD80  }
0x91: {  	v3 =	vld [tilespmem:s13+$0xF380];
	_ =	sdelay $0x3  }
0x92: {  	s11 =	simm.s32 $0x10  }
0x93: {  	v2 =	vld [tilespmem:s11+$0xF380];
	v4 =	vshrl.u32 v3, $0x1;
	v7 =	vmul.f32 $5.000000000e-01, v3  }
0x94: {  	v5 =	vsub.s32 $0x5F3759DF, v4  }
0x95: {  	v4 =	vmul.f32 v5, v7;
	_ =	sdelay $0x1  }
0x96: {  	v8 =	vmul.f32 v5, v4  }
0x97: {  	v9 =	vshrl.u32 v2, $0x1;
	v6 =	vmul.f32 $5.000000000e-01, v2  }
0x98: {  	s12 =	simm.s32 $0x20;
	v9 =	vsub.s32 $0x5F3759DF, v9;
	v8 =	vsub.f32 $1.500000000e+00, v8  }
0x99: {  	v10 =	vmul.f32 v9, v6;
	v4 =	vld [tilespmem:s12+$0xF380]  }
0x9a: {  	v8 =	vmul.f32 v5, v8  }
0x9b: {  	v11 =	vmul.f32 v9, v10  }
0x9c: {  	v12 =	vmul.f32 v8, v7  }
0x9d: {  	v11 =	vsub.f32 $1.500000000e+00, v11  }
0x9e: {  	v13 =	vshrl.u32 v4, $0x1;
	v10 =	vmul.f32 $5.000000000e-01, v4;
	v12 =	vmul.f32 v12, v8  }
0x9f: {  	s15 =	simm.s32 $0x30;
	v14 =	vsub.s32 $0x5F3759DF, v13  }
0xa0: {  	v5 =	vld [tilespmem:s15+$0xF380];
	v11 =	vmul.f32 v9, v11;
	v13 =	vmul.f32 v14, v10;
	v9 =	vsub.f32 $1.500000000e+00, v12;
	_ =	sdelay $0x1  }
0xa1: {  	v12 =	vmul.f32 v14, v13;
	v8 =	vmul.f32 v9, v8  }
0xa2: {  	v13 =	vmul.f32 v11, v6  }
0xa3: {  	v12 =	vsub.f32 $1.500000000e+00, v12;
	v7 =	vmul.f32 v8, v7  }
0xa4: {  	s17 =	simm.s32 $0x40;
	v15 =	vshrl.u32 v5, $0x1;
	v9 =	vmul.f32 $5.000000000e-01, v5;
	v16 =	vmul.f32 v13, v11  }
0xa5: {  	v13 =	vsub.s32 $0x5F3759DF, v15;
	v12 =	vmul.f32 v14, v12;
	v14 =	vmul.f32 v7, v8;
	v7 =	vld [tilespmem:s17+$0xF380]  }
0xa6: {  	v17 =	vmul.f32 v13, v9;
	_ =	sdelay $0x1  }
0xa7: {  	s19 =	simm.s32 $0x140;
	v15 =	vsub.f32 $1.500000000e+00, v16;
	v17 =	vmul.f32 v13, v17;
	v16 =	vmul.f32 v12, v10  }
.LBB2_4:
0xa8: {  	s21 =	smov.u32 s15  }
0xa9: {  	v18 =	vshrl.u32 v7, $0x1;
	v15 =	vmul.f32 v15, v11;
	v14 =	vsub.f32 $1.500000000e+00, v14;
	v19 =	vmovc v7;
	v20 =	vmovc v13;
	s15 =	smov.u32 s17;
	s17 =	sshra.s32 s19, $0x2;
	p0 =	sne.s32 s19, $0x9C0  }
.Ltmp1:
0xaa: {  	v11 =	vmovc v12;
	v7 =	vld [tilespmem:s17+$0xF380];
	v21 =	vmul.f32 $5.000000000e-01, v19;
	v17 =	vsub.f32 $1.500000000e+00, v17;
	v16 =	vmul.f32 v16, v12;
	(pc) =	sbr.rel @p0 .LBB2_4-.Ltmp1, $4  }
0xab: {  	s19 =	sadd.s32 $0x40, s19;
	v13 =	vsub.s32 $0x5F3759DF, v18;
	v18 =	vmul.f32 v15, v6;
	v22 =	vmul.f32 v14, v8;
	v8 =	vmovc v15;
	v6 =	vmovc v10  }
0xac: {  	vm0 =	vgt.f32 v3, $5.000000000e-01;
	v3 =	vmovc v2;
	v2 =	vmovc v4;
	v23 =	vmul.f32 v13, v21;
	v12 =	vmul.f32 v20, v17  }
0xad: {  	v4 =	vmovc v5;
	v5 =	vmovc v19;
	v15 =	vsub.f32 $1.500000000e+00, v16;
	v14 =	vmul.f32 v18, v8;
	v18 =	vnsel vm0, $0x0, v22  }
0xae: {  	v10 =	vmovc v9;
	v17 =	vmul.f32 v13, v23;
	v16 =	vmul.f32 v12, v9;
	[tilespmem:s13+$0xF600] =	vst v18;
	v9 =	vmov v21;
	s13 =	smov.u32 s11;
	s11 =	smov.u32 s12;
	s12 =	smov.u32 s21  }
0xaf: {  	v18 =	vshrl.u32 v7, $0x1;
	v19 =	vmul.f32 $5.000000000e-01, v7  }
0xb0: {  	v18 =	vsub.s32 $0x5F3759DF, v18  }
0xb1: {  	v20 =	vmul.f32 v18, v19;
	_ =	sdelay $0x1  }
0xb2: {  	v20 =	vmul.f32 v18, v20  }
0xb3: {  	v17 =	vsub.f32 $1.500000000e+00, v17  }
0xb4: {  	v20 =	vsub.f32 $1.500000000e+00, v20  }
0xb5: {  	v13 =	vmul.f32 v13, v17  }
0xb6: {  	v55 =	vmul.f32 v18, v20  }
0xb7: {  	v56 =	vmul.f32 v13, v9  }
0xb8: {  	v16 =	vmul.f32 v16, v12;
	v20 =	vmul.f32 v55, v19  }
0xb9: {  	v18 =	vmul.f32 v56, v13  }
0xba: {  	v16 =	vsub.f32 $1.500000000e+00, v16;
	v20 =	vmul.f32 v20, v55  }
0xbb: {  	v11 =	vmul.f32 v15, v11;
	v57 =	vsub.f32 $1.500000000e+00, v18  }
0xbc: {  	v58 =	vmul.f32 v16, v12;
	v59 =	vsub.f32 $1.500000000e+00, v20  }
0xbd: {  	v6 =	vmul.f32 v11, v6;
	v13 =	vmul.f32 v57, v13  }
0xbe: {  	v10 =	vmul.f32 v58, v10;
	v60 =	vmul.f32 v59, v55  }
0xbf: {  	v6 =	vmul.f32 v6, v11;
	v61 =	vmul.f32 v13, v9  }
0xc0: {  	v14 =	vsub.f32 $1.500000000e+00, v14;
	v10 =	vmul.f32 v10, v58;
	v16 =	vmul.f32 v60, v19  }
0xc1: {  	vm0 =	vgt.f32 v3, $5.000000000e-01;
	v6 =	vsub.f32 $1.500000000e+00, v6;
	v9 =	vmul.f32 v61, v13  }
0xc2: {  	v8 =	vmul.f32 v14, v8;
	v3 =	vsub.f32 $1.500000000e+00, v10;
	v62 =	vmul.f32 v16, v60  }
0xc3: {  	vm12 =	vgt.f32 v2, $5.000000000e-01;
	v6 =	vmul.f32 v6, v11;
	v9 =	vsub.f32 $1.500000000e+00, v9  }
0xc4: {  	v8 =	vnsel vm0, $0x0, v8;
	v2 =	vmul.f32 v3, v58;
	v3 =	vsub.f32 $1.500000000e+00, v62  }
0xc5: {  	vm13 =	vgt.f32 v4, $5.000000000e-01;
	[tilespmem:s13+$0xF600] =	vst v8;
	v6 =	vnsel vm12, $0x0, v6;
	v63 =	vmul.f32 v9, v13  }
0xc6: {  	vm14 =	vgt.f32 v5, $5.000000000e-01;
	[tilespmem:s11+$0xF600] =	vst v6;
	v2 =	vnsel vm13, $0x0, v2;
	v3 =	vmul.f32 v3, v60  }
0xc7: {  	vm15 =	vgt.f32 v7, $5.000000000e-01;
	[tilespmem:s12+$0xF600] =	vst v2;
	v2 =	vnsel vm14, $0x0, v63  }
0xc8: {  	[tilespmem:s15+$0xF600] =	vst v2;
	v2 =	vnsel vm15, $0x0, v3  }
0xc9: {  	[tilespmem:s17+$0xF600] =	vst v2;
	s17 =	rddreg [dreg:$0x7]  }
0xca: {  	[spmem:s17] =	stream.linear.scatter [tilespmem:s6], [sflag:$0x3], $0x280, $0x38;
	[tilespmem:$0x10000] =	vst v63  }
0xcb: {  	_ =	swait.ge [sflag:s0], $0x280  }
0xcc: {  	[sflag:s0] =	ssyncset.done $0x0  }
0xcd: {  	[sflag:s0] =	ssyncadd.s32 $0xFFFFFD80  }
0xce: {  	[bflag:$0x0] =	sbarrier.arrive $0xFFFF  }
0xcf: {  	[tilespmem:s14], [sflag:$0x1] =	stream.indirect.gather [spmem:s3], $0x1, s9, s2, $0xb8;
	[tilespmem:$0x10000] =	vst v63  }
0xd0: {  	s19 =	rddreg [dreg:$0xc]  }
0xd1: {  	[tilespmem:s16], [sflag:$0x1] =	stream.indirect.gather [spmem:s3], $0x1, s19, s2, $0xb8;
	[tilespmem:$0x10000] =	vst v63  }
0xd2: {  	s21 =	rddreg [dreg:$0xd]  }
0xd3: {  	[tilespmem:s18], [sflag:$0x1] =	stream.indirect.gather [spmem:s3], $0x1, s21, s2, $0xb8;
	[tilespmem:$0x10000] =	vst v63  }
0xd4: {  	s12 =	rddreg [dreg:$0xe]  }
0xd5: {  	[tilespmem:s20], [sflag:$0x1] =	stream.indirect.gather [spmem:s3], $0x1, s12, s2, $0xb8;
	[tilespmem:$0x10000] =	vst v63  }
0xd6: {  	s13 =	rddreg [dreg:$0xf]  }
0xd7: {  	[tilespmem:s22], [sflag:$0x1] =	stream.indirect.gather [spmem:s3], $0x1, s13, s2, $0xb8;
	[tilespmem:$0x10000] =	vst v63  }
0xd8: {  	_ =	swait.ge [sflag:s30], $0x7D0  }
0xd9: {  	[sflag:s30] =	ssyncset.done $0x0  }
0xda: {  	[sflag:s30] =	ssyncadd.s32 $0xFFFFF830  }
0xdb: {  	_ =	swait.ge [sflag:s30], $0x7D0  }
0xdc: {  	[sflag:s30] =	ssyncset.done $0x0  }
0xdd: {  	[sflag:s30] =	ssyncadd.s32 $0xFFFFF830  }
0xde: {  	_ =	swait.ge [sflag:s30], $0x7D0  }
0xdf: {  	[sflag:s30] =	ssyncset.done $0x0  }
0xe0: {  	[sflag:s30] =	ssyncadd.s32 $0xFFFFF830  }
0xe1: {  	_ =	swait.ge [sflag:s30], $0x7D0  }
0xe2: {  	[sflag:s30] =	ssyncset.done $0x0  }
0xe3: {  	[sflag:s30] =	ssyncadd.s32 $0xFFFFF830  }
0xe4: {  	_ =	swait.ge [sflag:s30], $0x7D0  }
0xe5: {  	[sflag:s30] =	ssyncset.done $0x0  }
0xe6: {  	[sflag:s30] =	ssyncadd.s32 $0xFFFFF830  }
0xe7: {  	[spmem:s1] =	stream.indirect.scatter.add.f32 [tilespmem:s14], [sflag:$0x2], $0x1, s23, s2, $0xb8;
	[tilespmem:$0x10000] =	vst v63  }
0xe8: {  	_ = 	snop  }
0xe9: {  	[spmem:s1] =	stream.indirect.scatter.add.f32 [tilespmem:s16], [sflag:$0x2], $0x1, s24, s2, $0xb8;
	[tilespmem:$0x10000] =	vst v63  }
0xea: {  	_ = 	snop  }
0xeb: {  	[spmem:s1] =	stream.indirect.scatter.add.f32 [tilespmem:s18], [sflag:$0x2], $0x1, s25, s2, $0xb8;
	[tilespmem:$0x10000] =	vst v63  }
0xec: {  	_ = 	snop  }
0xed: {  	[spmem:s1] =	stream.indirect.scatter.add.f32 [tilespmem:s20], [sflag:$0x2], $0x1, s26, s2, $0xb8;
	[tilespmem:$0x10000] =	vst v63  }
0xee: {  	_ = 	snop  }
0xef: {  	[spmem:s1] =	stream.indirect.scatter.add.f32 [tilespmem:s22], [sflag:$0x2], $0x1, s28, s2, $0xb8;
	[tilespmem:$0x10000] =	vst v63  }
0xf0: {  	_ =	swait.ge [sflag:s8], $0x7D0  }
0xf1: {  	[sflag:s8] =	ssyncset.done $0x0  }
0xf2: {  	[sflag:s8] =	ssyncadd.s32 $0xFFFFF830  }
0xf3: {  	_ =	swait.ge [sflag:s8], $0x7D0  }
0xf4: {  	[sflag:s8] =	ssyncset.done $0x0  }
0xf5: {  	[sflag:s8] =	ssyncadd.s32 $0xFFFFF830  }
0xf6: {  	_ =	swait.ge [sflag:s8], $0x7D0  }
0xf7: {  	[sflag:s8] =	ssyncset.done $0x0  }
0xf8: {  	[sflag:s8] =	ssyncadd.s32 $0xFFFFF830  }
0xf9: {  	_ =	swait.ge [sflag:s8], $0x7D0  }
0xfa: {  	[sflag:s8] =	ssyncset.done $0x0  }
0xfb: {  	[sflag:s8] =	ssyncadd.s32 $0xFFFFF830  }
0xfc: {  	_ =	swait.ge [sflag:s8], $0x7D0  }
0xfd: {  	[sflag:s8] =	ssyncset.done $0x0  }
0xfe: {  	[sflag:s8] =	ssyncadd.s32 $0xFFFFF830  }
0xff: {  	[bflag:$0x0] =	sbarrier.arrive $0xFFFF  }
0x100: {  	[tilespmem:s5], [sflag:$0x3] =	stream.linear.gather [spmem:s7], $0x280, $0x38;
	[tilespmem:$0x10000] =	vst v63  }
0x101: {  	_ =	swait.ge [sflag:s0], $0x280  }
0x102: {  	[sflag:s0] =	ssyncset.done $0x0  }
0x103: {  	s15 =	rddreg [dreg:$0x8];
	[sflag:s0] =	ssyncadd.s32 $0xFFFFFD80  }
0x104: {  	[hbm4b:s15+s4] =	stream.linear.scatter [tilespmem:s5], [sflag:$0x3], $0x280, $0x38;
	[tilespmem:$0x10000] =	vst v63  }
0x105: {  	_ =	swait.ge [sflag:s0], $0x280  }
0x106: {  	[sflag:s0] =	ssyncset.done $0x0  }
0x107: {  	s17 =	rddreg [dreg:$0x9];
	[sflag:s0] =	ssyncadd.s32 $0xFFFFFD80  }
0x108: {  	[tilespmem:s6], [sflag:$0x3] =	stream.linear.gather [spmem:s17], $0x140, $0x38;
	[tilespmem:$0x10000] =	vst v63  }
0x109: {  	_ =	swait.ge [sflag:s0], $0x140  }
0x10a: {  	[sflag:s0] =	ssyncset.done $0x0  }
0x10b: {  	s19 =	rddreg [dreg:$0xa];
	[sflag:s0] =	ssyncadd.s32 $0xFFFFFEC0  }
0x10c: {  	[hbm4b:s19+s4] =	stream.linear.scatter [tilespmem:s6], [sflag:$0x3], $0x140, $0x38;
	[tilespmem:$0x10000] =	vst v63  }
0x10d: {  	_ =	swait.ge [sflag:s0], $0x140  }
0x10e: {  	s10 =	sadd.s32 $0x1, s10;
	s21 =	rddreg [dreg:$0xb]  }
0x10f: {  	p0 =	sne.s32 s10, s21  }
.Ltmp2:
0x110: {  	_ = 	snop;
	(pc) =	sbr.rel @p0 .LBB2_1-.Ltmp2, $3  }
0x111: {  	_ =	sdelay $0x1  }
0x112: {  	[sflag:s0] =	ssyncset.done $0x0  }
0x113: {  	[sflag:s0] =	ssyncadd.s32 $0xFFFFFEC0  }
0x114: {  	_ =	sfence.sel $0x180000  }
0x115: {  	[bflag:$0x0] =	sbarrier.arrive $0xFFFF  }
0x116: {  	_ =	strace $0x90000047  }
0x117: {  	s0 =	stileid.u32;
	[bflag:$0x2] =	sbarrier.arrive $0xFFFF  }
0x118: {  	p0 =	sne.s32 s0, $0x0;
	s0 =	rddreg [dreg:$0x4]  }
0x119: {  	s0 =	sadd.s32 @!p0 $0x100000, s0  }
0x11a: {  	[sflag:s0] =	ssyncadd.tile.s32 @!p0 $0x1;
	_ =	shalt  }
.Lfunc_end2:
_tile_overlayer_lowered:
.L_overlay_start_2:
0x11b: {  	(tag) =	ssettag $0x2  }
0x11c: {  	s0 =	rddreg [dreg:$0x0];
	s2 =	stileid.u32  }
0x11d: {  	s1 =	rddreg [dreg:$0x1];
	p0 =	sne.s32 s2, $0x0  }
0x11e: {  	s3 =	rddreg [dreg:$0x2];
	[bflag:$0x3] =	sbarrier.arrive $0xFFFF;
	s2 =	simm.s32 @!p0 $0x1C03  }
0x11f: {  	[timem:s3], [sflag:s2] =	dma.local @!p0 [hbm:s0], s1  }
0x120: {  	s0 =	simm.s32 @!p0 $0x3  }
0x121: {  	_ =	swait.ge @!p0 [sflag:s0], s1  }
0x122: {  	s1 =	ssub.s32 @!p0 $0x0, s1;
	[sflag:s0] =	ssyncset.done @!p0 $0x0  }
0x123: {  	[sflag:s0] =	ssyncadd.s32 @!p0 s1  }
0x124: {  	[bflag:$0x3] =	sbarrier.arrive $0xFFFF  }
0x125: {  	_ =	shalt  }

</sc_bundles>
